<compile_context>
chip_gen: v7x
topology: tpu7x:2x2x1
jax: 0.10.2.dev20260603
libtpu: 0.0.44.dev20260713+nightly
codegen_flags: <defaults>
</compile_context>

<pallas_src>
import jax
import jax.numpy as jnp
from jax import lax
from jax.experimental import pallas as pl
from jax.experimental.pallas import tpu as pltpu
from jax.experimental.pallas import tpu_sc as plsc

N = 10000
E = 160000
D = 256
DW = 272
NPAD = 10240
NC = 2
NS = 16
EPA = 5008
EP = EPA * NC * NS
EB = 80
NBLK = 125
EPT = EB * NBLK
HALF = N // 2
ACC_ROWS = 5008
RPT = ACC_ROWS // NS
_RCHUNKS = [(o, min(EB, RPT - o)) for o in range(0, RPT, EB)]

_SC_PARAMS = pltpu.CompilerParams(use_tc_tiling_on_sc=False,
                                  needs_layout_passes=False)


def _mesh():
    return plsc.VectorSubcoreMesh(core_axis_name="c", subcore_axis_name="s",
                                  num_cores=NC, num_subcores=NS)



def _tc1_body(x_ref, w_ref, a2_ref, h_ref, sd_ref, cmax_ref):
    h = jnp.dot(x_ref[...], w_ref[...], preferred_element_type=jnp.float32)
    h_ref[...] = h
    sdv = jnp.dot(h, a2_ref[...], preferred_element_type=jnp.float32)
    sd_ref[...] = sdv

    @pl.when(pl.program_id(0) == 0)
    def _():
        cmax_ref[...] = jnp.full((2, 128), -jnp.inf, jnp.float32)

    ms = jnp.max(sdv[:, 0])
    md = jnp.max(sdv[:, 1])
    cur = jnp.concatenate(
        [jnp.full((1, 128), ms, jnp.float32), jnp.full((1, 128), md, jnp.float32)], axis=0)
    cmax_ref[...] = jnp.maximum(cmax_ref[...], cur)


def _tc1(x_aug, w_aug, a2):
    blk = 1024
    grid = NPAD // blk
    return pl.pallas_call(
        _tc1_body,
        grid=(grid,),
        in_specs=[
            pl.BlockSpec((blk, DW), lambda i: (i, 0)),
            pl.BlockSpec((DW, DW), lambda i: (0, 0)),
            pl.BlockSpec((DW, 128), lambda i: (0, 0)),
        ],
        out_specs=[
            pl.BlockSpec((blk, DW), lambda i: (i, 0)),
            pl.BlockSpec((blk, 128), lambda i: (i, 0)),
            pl.BlockSpec((2, 128), lambda i: (0, 0)),
        ],
        out_shape=[
            jax.ShapeDtypeStruct((NPAD, DW), jnp.float32),
            jax.ShapeDtypeStruct((NPAD, 128), jnp.float32),
            jax.ShapeDtypeStruct((2, 128), jnp.float32),
        ],
    )(x_aug, w_aug, a2)



def _sca_body(src_hbm, dst_hbm, s_hbm, d_hbm, cmax_hbm, rec_hbm,
              s_loc, d_loc, src_t, dst_t, rec_t, cv):
    core = lax.axis_index("c")
    sub = lax.axis_index("s")
    wid = sub * NC + core
    ebase = wid * EPA

    pltpu.sync_copy(s_hbm, s_loc)
    pltpu.sync_copy(d_hbm, d_loc)
    pltpu.sync_copy(src_hbm.at[pl.ds(ebase, EPA)], src_t)
    pltpu.sync_copy(dst_hbm.at[pl.ds(ebase, EPA)], dst_t)
    pltpu.sync_copy(cmax_hbm.at[:, pl.ds(0, 16)], cv)
    tmp = cv[0, :] + cv[1, :]
    cbound = jnp.where(tmp > 0, tmp, 0.2 * tmp)

    iota = lax.iota(jnp.int32, 16)

    def _grp(g, _):
        off = g * 16
        s16 = src_t[pl.ds(off, 16)]
        d16 = dst_t[pl.ds(off, 16)]
        sv = plsc.load_gather(s_loc, [s16])
        dv = plsc.load_gather(d_loc, [d16])
        e = sv + dv
        e = jnp.where(e > 0, e, 0.2 * e)
        alpha = jnp.exp(e - cbound)
        ki4 = (off + iota) * 4
        plsc.store_scatter(rec_t, [ki4], s16)
        plsc.store_scatter(rec_t, [ki4 + 1], d16)
        plsc.store_scatter(rec_t, [ki4 + 2], plsc.bitcast(alpha, jnp.int32))
        return 0

    lax.fori_loop(0, EPA // 16, _grp, 0)
    pltpu.sync_copy(rec_t, rec_hbm.at[pl.ds(ebase * 4, EPA * 4)])


def _sca_call(src_p, dst_p, s1, d1, cmax):
    f = pl.kernel(
        _sca_body,
        out_type=jax.ShapeDtypeStruct((EP * 4,), jnp.int32),
        mesh=_mesh(),
        compiler_params=_SC_PARAMS,
        scratch_types=[
            pltpu.VMEM((NPAD,), jnp.float32),
            pltpu.VMEM((NPAD,), jnp.float32),
            pltpu.VMEM((EPA,), jnp.int32),
            pltpu.VMEM((EPA,), jnp.int32),
            pltpu.VMEM((EPA * 4,), jnp.int32),
            pltpu.VMEM((2, 16), jnp.float32),
        ],
    )
    return f(src_p, dst_p, s1, d1, cmax)



def _scb_body(rec_hbm, haug_hbm, msg_hbm,
              rec, src_b, alpha_b, ldst_b, rowbuf, se, sg, ss, acc):
    core = lax.axis_index("c")
    sub = lax.axis_index("s")
    zero16 = jnp.zeros((16,), jnp.float32)
    iota = lax.iota(jnp.int32, 16)
    ebase = sub * EPT
    dbase = core * HALF

    def _zrow(r, _):
        for c in range(DW // 16):
            rowbuf[0, r, pl.ds(16 * c, 16)] = zero16
        return 0
    lax.fori_loop(0, EB, _zrow, 0)
    abase = sub * RPT
    for (o, sz) in _RCHUNKS:
        pltpu.sync_copy(rowbuf.at[0, pl.ds(0, sz)], acc.at[pl.ds(abase + o, sz)])
    plsc.subcore_barrier()

    def _stage(j, t, sem):
        pltpu.async_copy(
            rec_hbm.at[pl.ds((ebase + j * EB) * 4, EB * 4)], rec.at[t], sem)

    def _extract(t):
        for g in range(EB // 16):
            ki4 = (g * 16 + iota) * 4
            sl = pl.ds(g * 16, 16)
            src_b[t, sl] = plsc.load_gather(rec.at[t], [ki4])
            alpha_b[t, sl] = plsc.bitcast(
                plsc.load_gather(rec.at[t], [ki4 + 2]), jnp.float32)
            ld = plsc.load_gather(rec.at[t], [ki4 + 1]) - dbase
            inr = (ld >= 0) & (ld < HALF)
            ldst_b[t, sl] = jnp.where(inr, ld, HALF)

    _stage(0, 0, se.at[0])
    pltpu.make_async_copy(
        rec_hbm.at[pl.ds(ebase * 4, EB * 4)], rec.at[0], se.at[0]).wait()
    _extract(0)
    pltpu.async_copy(haug_hbm.at[src_b.at[0]], rowbuf.at[0], sg.at[0])
    _stage(1, 1, se.at[1])

    def _block(i, _):
        p = lax.rem(i, 2)
        q = 1 - p

        @pl.when(i + 1 < NBLK)
        def _():
            pltpu.make_async_copy(
                rec_hbm.at[pl.ds(ebase * 4, EB * 4)], rec.at[q], se.at[q]).wait()

            @pl.when(i >= 1)
            def _():
                pltpu.make_async_copy(
                    haug_hbm.at[pl.ds(0, EB)], rowbuf.at[q], ss.at[q]).wait()
            _extract(q)
            pltpu.async_copy(haug_hbm.at[src_b.at[q]], rowbuf.at[q], sg.at[q])

            @pl.when(i + 2 < NBLK)
            def _():
                _stage(i + 2, p, se.at[p])

        pltpu.make_async_copy(
            haug_hbm.at[src_b.at[p]], rowbuf.at[p], sg.at[p]).wait()

        def _srow(r, _):
            spl = plsc.load_gather(alpha_b.at[p], [jnp.full((16,), r, jnp.int32)])
            for c in range(DW // 16):
                sl = pl.ds(16 * c, 16)
                rowbuf[p, r, sl] = rowbuf[p, r, sl] * spl
            return 0
        lax.fori_loop(0, EB, _srow, 0)
        pltpu.async_copy(rowbuf.at[p], acc.at[ldst_b.at[p]], ss.at[p], add=True)
        return 0

    lax.fori_loop(0, NBLK, _block, 0)
    pltpu.make_async_copy(haug_hbm.at[pl.ds(0, EB)], rowbuf.at[0], ss.at[0]).wait()
    pltpu.make_async_copy(haug_hbm.at[pl.ds(0, EB)], rowbuf.at[1], ss.at[1]).wait()
    plsc.subcore_barrier()

    for (o, sz) in _RCHUNKS:
        pltpu.sync_copy(acc.at[pl.ds(abase + o, sz)],
                        msg_hbm.at[core, pl.ds(abase + o, sz)])


def _scb_call(rec, haug):
    f = pl.kernel(
        _scb_body,
        out_type=jax.ShapeDtypeStruct((NC, ACC_ROWS, DW), jnp.float32),
        mesh=_mesh(),
        compiler_params=_SC_PARAMS,
        scratch_types=[
            pltpu.VMEM((2, EB * 4), jnp.int32),
            pltpu.VMEM((2, EB), jnp.int32),
            pltpu.VMEM((2, EB), jnp.float32),
            pltpu.VMEM((2, EB), jnp.int32),
            pltpu.VMEM((2, EB, DW), jnp.float32),
            pltpu.SemaphoreType.DMA((2,)),
            pltpu.SemaphoreType.DMA((2,)),
            pltpu.SemaphoreType.DMA((2,)),
            pltpu.VMEM_SHARED((ACC_ROWS, DW), jnp.float32),
        ],
    )
    return f(rec, haug)



def _tc2_body(m_ref, o_ref):
    blk = m_ref[0]
    den = blk[:, 256:257]
    o_ref[...] = blk[:, :256] / jnp.clip(den, 1e-9, None)


def _tc2(msg):
    blk = 1000
    return pl.pallas_call(
        _tc2_body,
        grid=(N // blk,),
        in_specs=[
            pl.BlockSpec((1, blk, DW), lambda i: (i // 5, i % 5, 0)),
        ],
        out_specs=pl.BlockSpec((blk, 256), lambda i: (i, 0)),
        out_shape=jax.ShapeDtypeStruct((N, 256), jnp.float32),
    )(msg)



def kernel(x, edge_index, W, a_src, a_dst):
    f32 = jnp.float32
    x_aug = jnp.zeros((NPAD, DW), f32)
    x_aug = x_aug.at[:N, :D].set(x).at[:N, D].set(1.0)
    w_aug = jnp.zeros((DW, DW), f32).at[:D, :D].set(W).at[D, D].set(1.0)
    a2 = jnp.zeros((DW, 128), f32).at[:D, 0].set(a_src).at[:D, 1].set(a_dst)

    haug, sd128, cmax = _tc1(x_aug, w_aug, a2)
    s1 = sd128[:, 0]
    d1 = sd128[:, 1]

    src = edge_index[0]
    dst = edge_index[1]
    src_p = jnp.zeros((EP,), jnp.int32).at[:E].set(src)
    dst_p = jnp.full((EP,), N, jnp.int32).at[:E].set(dst)

    rec = _sca_call(src_p, dst_p, s1, d1, cmax)
    msg = _scb_call(rec, haug)
    return _tc2(msg)

# --- scband reference (transcript-rebuilt; emitter-appended) ---
"""Pipeline reference for scband-from-part-state-logits-gcnatt-branch-59055800320593 (READ-ONLY COPY).

The authoritative reference and input builder live on the scoring server;
editing this copy changes nothing except your own understanding.
"""

import jax, jax.numpy as jnp
import numpy as np

N = 10000
E = 160000
D = 256


def setup_inputs(seed: int = 0) -> dict:
    key = jax.random.key(seed)
    k1, k2, k3, k4, k5 = jax.random.split(key, 5)
    x = jax.random.normal(k1, (N, D), dtype=jnp.float32)
    edge_index = jax.random.randint(k2, (2, E), 0, N, dtype=jnp.int32)
    # learned parameters (GCN-attention layer, xavier-style init)
    W = jax.random.normal(k3, (D, D), dtype=jnp.float32) * (1.0 / np.sqrt(D))
    a_src = jax.random.normal(k4, (D,), dtype=jnp.float32) * 0.1
    a_dst = jax.random.normal(k5, (D,), dtype=jnp.float32) * 0.1
    return {"x": x, "edge_index": edge_index, "W": W, "a_src": a_src, "a_dst": a_dst}


def reference(x, edge_index, W, a_src, a_dst):
    # GCN message passing with edge-level attention (GAT-style softmax over incoming edges)
    src = edge_index[0]
    dst = edge_index[1]
    h = x @ W  # [N, D]
    h_src = jnp.take(h, src, axis=0)  # gather [E, D]
    h_dst = jnp.take(h, dst, axis=0)  # gather [E, D]
    e = jax.nn.leaky_relu(h_src @ a_src + h_dst @ a_dst, negative_slope=0.2)  # [E]
    # numerically-stable softmax per destination node
    e_max = jax.ops.segment_max(e, dst, num_segments=N)
    e_max = jnp.where(jnp.isfinite(e_max), e_max, 0.0)
    alpha = jnp.exp(e - jnp.take(e_max, dst, axis=0))  # [E]
    denom = jax.ops.segment_sum(alpha, dst, num_segments=N)  # [N]
    msg = jax.ops.segment_sum(alpha[:, None] * h_src, dst, num_segments=N)  # scatter-add [N, D]
    out = msg / jnp.clip(denom, 1e-9, None)[:, None]
    return out

if __name__ == "__main__":
    import jax
    _d = setup_inputs()
    print(jax.jit(kernel)(*tuple(_d.values())))

</pallas_src>

<mosaic_0001>
#map = affine_map<(d0, d1) -> (0)>
#map1 = affine_map<(d0, d1) -> (0, 0)>
module attributes {stable_mosaic.version = 14 : i64} {
  func.func @_sca_body(%arg0: i32, %arg1: i32, %arg2: memref<160256xi32, #tpu.memory_space<hbm>>, %arg3: memref<160256xi32, #tpu.memory_space<hbm>>, %arg4: memref<10240xf32, #tpu.memory_space<hbm>>, %arg5: memref<10240xf32, #tpu.memory_space<hbm>>, %arg6: memref<2x128xf32, #tpu.memory_space<hbm>>, %arg7: memref<641024xi32, #tpu.memory_space<hbm>>, %arg8: memref<10240xf32, #tpu.memory_space<vmem>>, %arg9: memref<10240xf32, #tpu.memory_space<vmem>>, %arg10: memref<5008xi32, #tpu.memory_space<vmem>>, %arg11: memref<5008xi32, #tpu.memory_space<vmem>>, %arg12: memref<20032xi32, #tpu.memory_space<vmem>>, %arg13: memref<2x16xf32, #tpu.memory_space<vmem>>) attributes {dimension_semantics = [#tpu.dimension_semantics<core_parallel>, #tpu.dimension_semantics<subcore_parallel>], iteration_bounds = array<i64: 2, 16>, scalar_prefetch = 0 : i64, scratch_operands = 6 : i64, tpu.core_type = #tpu.core_type<sc_vector_subcore>, window_params = [{transform_indices = #map}, {transform_indices = #map}, {transform_indices = #map}, {transform_indices = #map}, {transform_indices = #map1}, {transform_indices = #map}]} {
    %mul3A = arith.constant 2 : i32
    %mul3A_0 = arith.muli %arg1, %mul3A : i32
    %add3A = arith.addi %mul3A_0, %arg0 : i32
    %mul3A_1 = arith.constant 5008 : i32
    %mul3A_2 = arith.muli %add3A, %mul3A_1 : i32
    "tpu.region"() ({
      %run_scoped3A = tpu.sem_alloc : memref<!tpu.dma_semaphore, #tpu.memory_space<semaphore_mem>>
      tpu.enqueue_dma source(%arg4 : memref<10240xf32, #tpu.memory_space<hbm>>) target(%arg8 : memref<10240xf32, #tpu.memory_space<vmem>>) target_semaphore(%run_scoped3A : memref<!tpu.dma_semaphore, #tpu.memory_space<semaphore_mem>>)
      tpu.wait_dma2 semaphore(%run_scoped3A : memref<!tpu.dma_semaphore, #tpu.memory_space<semaphore_mem>>) src(%arg4 : memref<10240xf32, #tpu.memory_space<hbm>>) dst(%arg8 : memref<10240xf32, #tpu.memory_space<vmem>>)
      tpu.yield
    }) : () -> ()
    "tpu.region"() ({
      %run_scoped3A = tpu.sem_alloc : memref<!tpu.dma_semaphore, #tpu.memory_space<semaphore_mem>>
      tpu.enqueue_dma source(%arg5 : memref<10240xf32, #tpu.memory_space<hbm>>) target(%arg9 : memref<10240xf32, #tpu.memory_space<vmem>>) target_semaphore(%run_scoped3A : memref<!tpu.dma_semaphore, #tpu.memory_space<semaphore_mem>>)
      tpu.wait_dma2 semaphore(%run_scoped3A : memref<!tpu.dma_semaphore, #tpu.memory_space<semaphore_mem>>) src(%arg5 : memref<10240xf32, #tpu.memory_space<hbm>>) dst(%arg9 : memref<10240xf32, #tpu.memory_space<vmem>>)
      tpu.yield
    }) : () -> ()
    "tpu.region"() ({
      %run_scoped3A = tpu.sem_alloc : memref<!tpu.dma_semaphore, #tpu.memory_space<semaphore_mem>>
      %dma_start3A = tpu.memref_slice %arg2[%mul3A_2] : memref<160256xi32, #tpu.memory_space<hbm>> -> memref<5008xi32, #tpu.memory_space<hbm>>
      %dma_start3A_24 = tpu.memref_slice %arg2[%mul3A_2] : memref<160256xi32, #tpu.memory_space<hbm>> -> memref<5008xi32, #tpu.memory_space<hbm>>
      tpu.enqueue_dma source(%dma_start3A_24 : memref<5008xi32, #tpu.memory_space<hbm>>) target(%arg10 : memref<5008xi32, #tpu.memory_space<vmem>>) target_semaphore(%run_scoped3A : memref<!tpu.dma_semaphore, #tpu.memory_space<semaphore_mem>>)
      %dma_wait3A = tpu.memref_slice %arg2[%mul3A_2] : memref<160256xi32, #tpu.memory_space<hbm>> -> memref<5008xi32, #tpu.memory_space<hbm>>
      %dma_wait3A_25 = tpu.memref_slice %arg2[%mul3A_2] : memref<160256xi32, #tpu.memory_space<hbm>> -> memref<5008xi32, #tpu.memory_space<hbm>>
      tpu.wait_dma2 semaphore(%run_scoped3A : memref<!tpu.dma_semaphore, #tpu.memory_space<semaphore_mem>>) src(%dma_wait3A_25 : memref<5008xi32, #tpu.memory_space<hbm>>) dst(%arg10 : memref<5008xi32, #tpu.memory_space<vmem>>)
      tpu.yield
    }) : () -> ()
    "tpu.region"() ({
      %run_scoped3A = tpu.sem_alloc : memref<!tpu.dma_semaphore, #tpu.memory_space<semaphore_mem>>
      %dma_start3A = tpu.memref_slice %arg3[%mul3A_2] : memref<160256xi32, #tpu.memory_space<hbm>> -> memref<5008xi32, #tpu.memory_space<hbm>>
      %dma_start3A_24 = tpu.memref_slice %arg3[%mul3A_2] : memref<160256xi32, #tpu.memory_space<hbm>> -> memref<5008xi32, #tpu.memory_space<hbm>>
      tpu.enqueue_dma source(%dma_start3A_24 : memref<5008xi32, #tpu.memory_space<hbm>>) target(%arg11 : memref<5008xi32, #tpu.memory_space<vmem>>) target_semaphore(%run_scoped3A : memref<!tpu.dma_semaphore, #tpu.memory_space<semaphore_mem>>)
      %dma_wait3A = tpu.memref_slice %arg3[%mul3A_2] : memref<160256xi32, #tpu.memory_space<hbm>> -> memref<5008xi32, #tpu.memory_space<hbm>>
      %dma_wait3A_25 = tpu.memref_slice %arg3[%mul3A_2] : memref<160256xi32, #tpu.memory_space<hbm>> -> memref<5008xi32, #tpu.memory_space<hbm>>
      tpu.wait_dma2 semaphore(%run_scoped3A : memref<!tpu.dma_semaphore, #tpu.memory_space<semaphore_mem>>) src(%dma_wait3A_25 : memref<5008xi32, #tpu.memory_space<hbm>>) dst(%arg11 : memref<5008xi32, #tpu.memory_space<vmem>>)
      tpu.yield
    }) : () -> ()
    "tpu.region"() ({
      %run_scoped3A = tpu.sem_alloc : memref<!tpu.dma_semaphore, #tpu.memory_space<semaphore_mem>>
      %dma_start3A = arith.constant 0 : i32
      %dma_start3A_24 = arith.constant 0 : i32
      %dma_start3A_25 = tpu.memref_slice %arg6[%dma_start3A, %dma_start3A_24] : memref<2x128xf32, #tpu.memory_space<hbm>> -> memref<2x16xf32, #tpu.memory_space<hbm>>
      %dma_start3A_26 = arith.constant 0 : i32
      %dma_start3A_27 = arith.constant 0 : i32
      %dma_start3A_28 = tpu.memref_slice %arg6[%dma_start3A_26, %dma_start3A_27] : memref<2x128xf32, #tpu.memory_space<hbm>> -> memref<2x16xf32, #tpu.memory_space<hbm>>
      tpu.enqueue_dma source(%dma_start3A_28 : memref<2x16xf32, #tpu.memory_space<hbm>>) target(%arg13 : memref<2x16xf32, #tpu.memory_space<vmem>>) target_semaphore(%run_scoped3A : memref<!tpu.dma_semaphore, #tpu.memory_space<semaphore_mem>>)
      %dma_wait3A = arith.constant 0 : i32
      %dma_wait3A_29 = arith.constant 0 : i32
      %dma_wait3A_30 = tpu.memref_slice %arg6[%dma_wait3A, %dma_wait3A_29] : memref<2x128xf32, #tpu.memory_space<hbm>> -> memref<2x16xf32, #tpu.memory_space<hbm>>
      %dma_wait3A_31 = arith.constant 0 : i32
      %dma_wait3A_32 = arith.constant 0 : i32
      %dma_wait3A_33 = tpu.memref_slice %arg6[%dma_wait3A_31, %dma_wait3A_32] : memref<2x128xf32, #tpu.memory_space<hbm>> -> memref<2x16xf32, #tpu.memory_space<hbm>>
      tpu.wait_dma2 semaphore(%run_scoped3A : memref<!tpu.dma_semaphore, #tpu.memory_space<semaphore_mem>>) src(%dma_wait3A_33 : memref<2x16xf32, #tpu.memory_space<hbm>>) dst(%arg13 : memref<2x16xf32, #tpu.memory_space<vmem>>)
      tpu.yield
    }) : () -> ()
    %get3A = arith.constant 0 : i32
    %get3A_3 = arith.index_cast %get3A : i32 to index
    %get3A_4 = arith.constant 0 : index
    %get3A_5 = tpu.vector_load %arg13[%get3A_3, %get3A_4] {strides = array<i32>} : memref<2x16xf32, #tpu.memory_space<vmem>>, vector<16xf32>,
    %get3A_6 = arith.constant 1 : i32
    %get3A_7 = arith.index_cast %get3A_6 : i32 to index
    %get3A_8 = arith.constant 0 : index
    %get3A_9 = tpu.vector_load %arg13[%get3A_7, %get3A_8] {strides = array<i32>} : memref<2x16xf32, #tpu.memory_space<vmem>>, vector<16xf32>,
    %add3A_10 = arith.addf %get3A_5, %get3A_9 : vector<16xf32>
    %gt3A = arith.constant 0.000000e+00 : f32
    %gt3A_11 = vector.broadcast %gt3A : f32 to vector<16xf32>
    %gt3A_12 = arith.cmpf ogt, %add3A_10, %gt3A_11 : vector<16xf32>
    %mul3A_13 = arith.constant 2.000000e-01 : f32
    %mul3A_14 = vector.broadcast %mul3A_13 : f32 to vector<16xf32>
    %mul3A_15 = arith.mulf %mul3A_14, %add3A_10 : vector<16xf32>
    %select_n3A = arith.select %gt3A_12, %add3A_10, %mul3A_15 : vector<16xi1>, vector<16xf32>
    %iota3A = tpu.iota {dimensions = array<i32: 0>} : vector<16xi32>
    %scan3A = arith.constant 0 : i32
    %scan3A_16 = arith.constant 0 : i32
    %scan3A_17 = arith.constant 313 : i32
    %scan3A_18 = arith.addi %scan3A_16, %scan3A_17 : i32
    %scan3A_19 = arith.constant 1 : i32
    %scan3A_20 = scf.for %scan3A_24 = %scan3A_16 to %scan3A_18 step %scan3A_19 iter_args(%scan3A_25 = %scan3A) -> (i32)  : i32 {
      %mul3A_26 = arith.constant 16 : i32
      %mul3A_27 = arith.muli %scan3A_24, %mul3A_26 : i32
      %get3A_28 = arith.index_cast %mul3A_27 : i32 to index
      %get3A_29 = tpu.vector_load %arg10[%get3A_28] {strides = array<i32>} : memref<5008xi32, #tpu.memory_space<vmem>>, vector<16xi32>,
      %get3A_30 = arith.index_cast %mul3A_27 : i32 to index
      %get3A_31 = tpu.vector_load %arg11[%get3A_30] {strides = array<i32>} : memref<5008xi32, #tpu.memory_space<vmem>>, vector<16xi32>,
      %gather3A = tpu.vector_load_idx %arg8[%get3A_29] : memref<10240xf32, #tpu.memory_space<vmem>>[vector<16xi32>], vector<16xf32>,
      %gather3A_32 = tpu.vector_load_idx %arg9[%get3A_31] : memref<10240xf32, #tpu.memory_space<vmem>>[vector<16xi32>], vector<16xf32>,
      %add3A_33 = arith.addf %gather3A, %gather3A_32 : vector<16xf32>
      %gt3A_34 = arith.constant 0.000000e+00 : f32
      %gt3A_35 = vector.broadcast %gt3A_34 : f32 to vector<16xf32>
      %gt3A_36 = arith.cmpf ogt, %add3A_33, %gt3A_35 : vector<16xf32>
      %mul3A_37 = arith.constant 2.000000e-01 : f32
      %mul3A_38 = vector.broadcast %mul3A_37 : f32 to vector<16xf32>
      %mul3A_39 = arith.mulf %mul3A_38, %add3A_33 : vector<16xf32>
      %select_n3A_40 = arith.select %gt3A_36, %add3A_33, %mul3A_39 : vector<16xi1>, vector<16xf32>
      %sub3A = arith.subf %select_n3A_40, %select_n3A : vector<16xf32>
      %exp3A = math.exp %sub3A : vector<16xf32>
      %add3A_41 = vector.broadcast %mul3A_27 : i32 to vector<16xi32>
      %add3A_42 = arith.addi %add3A_41, %iota3A : vector<16xi32>
      %mul3A_43 = arith.constant 4 : i32
      %mul3A_44 = vector.broadcast %mul3A_43 : i32 to vector<16xi32>
      %mul3A_45 = arith.muli %add3A_42, %mul3A_44 : vector<16xi32>
      tpu.vector_store_idx %arg12[%mul3A_45], %get3A_29 : memref<20032xi32, #tpu.memory_space<vmem>>[vector<16xi32>], vector<16xi32>,
      %add3A_46 = arith.constant 1 : i32
      %add3A_47 = vector.broadcast %add3A_46 : i32 to vector<16xi32>
      %add3A_48 = arith.addi %mul3A_45, %add3A_47 : vector<16xi32>
      tpu.vector_store_idx %arg12[%add3A_48], %get3A_31 : memref<20032xi32, #tpu.memory_space<vmem>>[vector<16xi32>], vector<16xi32>,
      %add3A_49 = arith.constant 2 : i32
      %add3A_50 = vector.broadcast %add3A_49 : i32 to vector<16xi32>
      %add3A_51 = arith.addi %mul3A_45, %add3A_50 : vector<16xi32>
      %bitcast3A = vector.bitcast %exp3A : vector<16xf32> to vector<16xi32>
      tpu.vector_store_idx %arg12[%add3A_51], %bitcast3A : memref<20032xi32, #tpu.memory_space<vmem>>[vector<16xi32>], vector<16xi32>,
      %scan3A_52 = arith.constant 0 : i32
      scf.yield %scan3A_52 : i32
    }
    %scan3A_21 = arith.constant 313 : i32
    %mul3A_22 = arith.constant 4 : i32
    %mul3A_23 = arith.muli %mul3A_2, %mul3A_22 : i32
    "tpu.region"() ({
      %run_scoped3A = tpu.sem_alloc : memref<!tpu.dma_semaphore, #tpu.memory_space<semaphore_mem>>
      %dma_start3A = tpu.memref_slice %arg7[%mul3A_23] : memref<641024xi32, #tpu.memory_space<hbm>> -> memref<20032xi32, #tpu.memory_space<hbm>>
      %dma_start3A_24 = tpu.memref_slice %arg7[%mul3A_23] : memref<641024xi32, #tpu.memory_space<hbm>> -> memref<20032xi32, #tpu.memory_space<hbm>>
      tpu.enqueue_dma source(%arg12 : memref<20032xi32, #tpu.memory_space<vmem>>) target(%dma_start3A_24 : memref<20032xi32, #tpu.memory_space<hbm>>) target_semaphore(%run_scoped3A : memref<!tpu.dma_semaphore, #tpu.memory_space<semaphore_mem>>)
      %dma_wait3A = tpu.memref_slice %arg7[%mul3A_23] : memref<641024xi32, #tpu.memory_space<hbm>> -> memref<20032xi32, #tpu.memory_space<hbm>>
      %dma_wait3A_25 = tpu.memref_slice %arg7[%mul3A_23] : memref<641024xi32, #tpu.memory_space<hbm>> -> memref<20032xi32, #tpu.memory_space<hbm>>
      tpu.wait_dma2 semaphore(%run_scoped3A : memref<!tpu.dma_semaphore, #tpu.memory_space<semaphore_mem>>) src(%arg12 : memref<20032xi32, #tpu.memory_space<vmem>>) dst(%dma_wait3A_25 : memref<20032xi32, #tpu.memory_space<hbm>>)
      tpu.yield
    }) : () -> ()
    return
  }
}

#map = affine_map<(d0, d1) -> (0)>
#map1 = affine_map<(d0, d1) -> (0, 0)>
#map2 = affine_map<(d0, d1) -> (0, 0, 0)>
module attributes {stable_mosaic.version = 14 : i64} {
  func.func @_scb_body(%arg0: i32, %arg1: i32, %arg2: memref<641024xi32, #tpu.memory_space<hbm>>, %arg3: memref<10240x272xf32, #tpu.memory_space<hbm>>, %arg4: memref<2x5008x272xf32, #tpu.memory_space<hbm>>, %arg5: memref<2x320xi32, #tpu.memory_space<vmem>>, %arg6: memref<2x80xi32, #tpu.memory_space<vmem>>, %arg7: memref<2x80xf32, #tpu.memory_space<vmem>>, %arg8: memref<2x80xi32, #tpu.memory_space<vmem>>, %arg9: memref<2x80x272xf32, #tpu.memory_space<vmem>>, %arg10: memref<2x!tpu.dma_semaphore, #tpu.memory_space<semaphore_mem>>, %arg11: memref<2x!tpu.dma_semaphore, #tpu.memory_space<semaphore_mem>>, %arg12: memref<2x!tpu.dma_semaphore, #tpu.memory_space<semaphore_mem>>, %arg13: memref<5008x272xf32, #tpu.memory_space<vmem_shared>>) attributes {dimension_semantics = [#tpu.dimension_semantics<core_parallel>, #tpu.dimension_semantics<subcore_parallel>], iteration_bounds = array<i64: 2, 16>, scalar_prefetch = 0 : i64, scratch_operands = 9 : i64, tpu.core_type = #tpu.core_type<sc_vector_subcore>, window_params = [{transform_indices = #map}, {transform_indices = #map1}, {transform_indices = #map2}]} {
    %broadcast_in_dim3A = arith.constant 0.000000e+00 : f32
    %broadcast_in_dim3A_0 = vector.broadcast %broadcast_in_dim3A : f32 to vector<16xf32>
    %iota3A = tpu.iota {dimensions = array<i32: 0>} : vector<16xi32>
    %mul3A = arith.constant 10000 : i32
    %mul3A_1 = arith.muli %arg1, %mul3A : i32
    %mul3A_2 = arith.constant 5000 : i32
    %mul3A_3 = arith.muli %arg0, %mul3A_2 : i32
    %scan3A = arith.constant 0 : i32
    %scan3A_4 = arith.constant 0 : i32
    %scan3A_5 = arith.constant 80 : i32
    %scan3A_6 = arith.addi %scan3A_4, %scan3A_5 : i32
    %scan3A_7 = arith.constant 1 : i32
    %scan3A_8 = scf.for %scan3A_392 = %scan3A_4 to %scan3A_6 step %scan3A_7 iter_args(%scan3A_393 = %scan3A) -> (i32)  : i32 {
      %swap3A_394 = arith.constant 0 : i32
      %swap3A_395 = arith.index_cast %swap3A_394 : i32 to index
      %swap3A_396 = arith.index_cast %scan3A_392 : i32 to index
      %swap3A_397 = arith.constant 0 : index
      %swap3A_398 = tpu.vector_load %arg9[%swap3A_395, %swap3A_396, %swap3A_397] {strides = array<i32>} : memref<2x80x272xf32, #tpu.memory_space<vmem>>, vector<16xf32>,
      tpu.vector_store %arg9[%swap3A_395, %swap3A_396, %swap3A_397], %broadcast_in_dim3A_0 {strides = array<i32>} : memref<2x80x272xf32, #tpu.memory_space<vmem>>, vector<16xf32>,
      %swap3A_399 = arith.constant 0 : i32
      %swap3A_400 = arith.index_cast %swap3A_399 : i32 to index
      %swap3A_401 = arith.index_cast %scan3A_392 : i32 to index
      %swap3A_402 = arith.constant 16 : index
      %swap3A_403 = tpu.vector_load %arg9[%swap3A_400, %swap3A_401, %swap3A_402] {strides = array<i32>} : memref<2x80x272xf32, #tpu.memory_space<vmem>>, vector<16xf32>,
      tpu.vector_store %arg9[%swap3A_400, %swap3A_401, %swap3A_402], %broadcast_in_dim3A_0 {strides = array<i32>} : memref<2x80x272xf32, #tpu.memory_space<vmem>>, vector<16xf32>,
      %swap3A_404 = arith.constant 0 : i32
      %swap3A_405 = arith.index_cast %swap3A_404 : i32 to index
      %swap3A_406 = arith.index_cast %scan3A_392 : i32 to index
      %swap3A_407 = arith.constant 32 : index
      %swap3A_408 = tpu.vector_load %arg9[%swap3A_405, %swap3A_406, %swap3A_407] {strides = array<i32>} : memref<2x80x272xf32, #tpu.memory_space<vmem>>, vector<16xf32>,
      tpu.vector_store %arg9[%swap3A_405, %swap3A_406, %swap3A_407], %broadcast_in_dim3A_0 {strides = array<i32>} : memref<2x80x272xf32, #tpu.memory_space<vmem>>, vector<16xf32>,
      %swap3A_409 = arith.constant 0 : i32
      %swap3A_410 = arith.index_cast %swap3A_409 : i32 to index
      %swap3A_411 = arith.index_cast %scan3A_392 : i32 to index
      %swap3A_412 = arith.constant 48 : index
      %swap3A_413 = tpu.vector_load %arg9[%swap3A_410, %swap3A_411, %swap3A_412] {strides = array<i32>} : memref<2x80x272xf32, #tpu.memory_space<vmem>>, vector<16xf32>,
      tpu.vector_store %arg9[%swap3A_410, %swap3A_411, %swap3A_412], %broadcast_in_dim3A_0 {strides = array<i32>} : memref<2x80x272xf32, #tpu.memory_space<vmem>>, vector<16xf32>,
      %swap3A_414 = arith.constant 0 : i32
      %swap3A_415 = arith.index_cast %swap3A_414 : i32 to index
      %swap3A_416 = arith.index_cast %scan3A_392 : i32 to index
      %swap3A_417 = arith.constant 64 : index
      %swap3A_418 = tpu.vector_load %arg9[%swap3A_415, %swap3A_416, %swap3A_417] {strides = array<i32>} : memref<2x80x272xf32, #tpu.memory_space<vmem>>, vector<16xf32>,
      tpu.vector_store %arg9[%swap3A_415, %swap3A_416, %swap3A_417], %broadcast_in_dim3A_0 {strides = array<i32>} : memref<2x80x272xf32, #tpu.memory_space<vmem>>, vector<16xf32>,
      %swap3A_419 = arith.constant 0 : i32
      %swap3A_420 = arith.index_cast %swap3A_419 : i32 to index
      %swap3A_421 = arith.index_cast %scan3A_392 : i32 to index
      %swap3A_422 = arith.constant 80 : index
      %swap3A_423 = tpu.vector_load %arg9[%swap3A_420, %swap3A_421, %swap3A_422] {strides = array<i32>} : memref<2x80x272xf32, #tpu.memory_space<vmem>>, vector<16xf32>,
      tpu.vector_store %arg9[%swap3A_420, %swap3A_421, %swap3A_422], %broadcast_in_dim3A_0 {strides = array<i32>} : memref<2x80x272xf32, #tpu.memory_space<vmem>>, vector<16xf32>,
      %swap3A_424 = arith.constant 0 : i32
      %swap3A_425 = arith.index_cast %swap3A_424 : i32 to index
      %swap3A_426 = arith.index_cast %scan3A_392 : i32 to index
      %swap3A_427 = arith.constant 96 : index
      %swap3A_428 = tpu.vector_load %arg9[%swap3A_425, %swap3A_426, %swap3A_427] {strides = array<i32>} : memref<2x80x272xf32, #tpu.memory_space<vmem>>, vector<16xf32>,
      tpu.vector_store %arg9[%swap3A_425, %swap3A_426, %swap3A_427], %broadcast_in_dim3A_0 {strides = array<i32>} : memref<2x80x272xf32, #tpu.memory_space<vmem>>, vector<16xf32>,
      %swap3A_429 = arith.constant 0 : i32
      %swap3A_430 = arith.index_cast %swap3A_429 : i32 to index
      %swap3A_431 = arith.index_cast %scan3A_392 : i32 to index
      %swap3A_432 = arith.constant 112 : index
      %swap3A_433 = tpu.vector_load %arg9[%swap3A_430, %swap3A_431, %swap3A_432] {strides = array<i32>} : memref<2x80x272xf32, #tpu.memory_space<vmem>>, vector<16xf32>,
      tpu.vector_store %arg9[%swap3A_430, %swap3A_431, %swap3A_432], %broadcast_in_dim3A_0 {strides = array<i32>} : memref<2x80x272xf32, #tpu.memory_space<vmem>>, vector<16xf32>,
      %swap3A_434 = arith.constant 0 : i32
      %swap3A_435 = arith.index_cast %swap3A_434 : i32 to index
      %swap3A_436 = arith.index_cast %scan3A_392 : i32 to index
      %swap3A_437 = arith.constant 128 : index
      %swap3A_438 = tpu.vector_load %arg9[%swap3A_435, %swap3A_436, %swap3A_437] {strides = array<i32>} : memref<2x80x272xf32, #tpu.memory_space<vmem>>, vector<16xf32>,
      tpu.vector_store %arg9[%swap3A_435, %swap3A_436, %swap3A_437], %broadcast_in_dim3A_0 {strides = array<i32>} : memref<2x80x272xf32, #tpu.memory_space<vmem>>, vector<16xf32>,
      %swap3A_439 = arith.constant 0 : i32
      %swap3A_440 = arith.index_cast %swap3A_439 : i32 to index
      %swap3A_441 = arith.index_cast %scan3A_392 : i32 to index
      %swap3A_442 = arith.constant 144 : index
      %swap3A_443 = tpu.vector_load %arg9[%swap3A_440, %swap3A_441, %swap3A_442] {strides = array<i32>} : memref<2x80x272xf32, #tpu.memory_space<vmem>>, vector<16xf32>,
      tpu.vector_store %arg9[%swap3A_440, %swap3A_441, %swap3A_442], %broadcast_in_dim3A_0 {strides = array<i32>} : memref<2x80x272xf32, #tpu.memory_space<vmem>>, vector<16xf32>,
      %swap3A_444 = arith.constant 0 : i32
      %swap3A_445 = arith.index_cast %swap3A_444 : i32 to index
      %swap3A_446 = arith.index_cast %scan3A_392 : i32 to index
      %swap3A_447 = arith.constant 160 : index
      %swap3A_448 = tpu.vector_load %arg9[%swap3A_445, %swap3A_446, %swap3A_447] {strides = array<i32>} : memref<2x80x272xf32, #tpu.memory_space<vmem>>, vector<16xf32>,
      tpu.vector_store %arg9[%swap3A_445, %swap3A_446, %swap3A_447], %broadcast_in_dim3A_0 {strides = array<i32>} : memref<2x80x272xf32, #tpu.memory_space<vmem>>, vector<16xf32>,
      %swap3A_449 = arith.constant 0 : i32
      %swap3A_450 = arith.index_cast %swap3A_449 : i32 to index
      %swap3A_451 = arith.index_cast %scan3A_392 : i32 to index
      %swap3A_452 = arith.constant 176 : index
      %swap3A_453 = tpu.vector_load %arg9[%swap3A_450, %swap3A_451, %swap3A_452] {strides = array<i32>} : memref<2x80x272xf32, #tpu.memory_space<vmem>>, vector<16xf32>,
      tpu.vector_store %arg9[%swap3A_450, %swap3A_451, %swap3A_452], %broadcast_in_dim3A_0 {strides = array<i32>} : memref<2x80x272xf32, #tpu.memory_space<vmem>>, vector<16xf32>,
      %swap3A_454 = arith.constant 0 : i32
      %swap3A_455 = arith.index_cast %swap3A_454 : i32 to index
      %swap3A_456 = arith.index_cast %scan3A_392 : i32 to index
      %swap3A_457 = arith.constant 192 : index
      %swap3A_458 = tpu.vector_load %arg9[%swap3A_455, %swap3A_456, %swap3A_457] {strides = array<i32>} : memref<2x80x272xf32, #tpu.memory_space<vmem>>, vector<16xf32>,
      tpu.vector_store %arg9[%swap3A_455, %swap3A_456, %swap3A_457], %broadcast_in_dim3A_0 {strides = array<i32>} : memref<2x80x272xf32, #tpu.memory_space<vmem>>, vector<16xf32>,
      %swap3A_459 = arith.constant 0 : i32
      %swap3A_460 = arith.index_cast %swap3A_459 : i32 to index
      %swap3A_461 = arith.index_cast %scan3A_392 : i32 to index
      %swap3A_462 = arith.constant 208 : index
      %swap3A_463 = tpu.vector_load %arg9[%swap3A_460, %swap3A_461, %swap3A_462] {strides = array<i32>} : memref<2x80x272xf32, #tpu.memory_space<vmem>>, vector<16xf32>,
      tpu.vector_store %arg9[%swap3A_460, %swap3A_461, %swap3A_462], %broadcast_in_dim3A_0 {strides = array<i32>} : memref<2x80x272xf32, #tpu.memory_space<vmem>>, vector<16xf32>,
      %swap3A_464 = arith.constant 0 : i32
      %swap3A_465 = arith.index_cast %swap3A_464 : i32 to index
      %swap3A_466 = arith.index_cast %scan3A_392 : i32 to index
      %swap3A_467 = arith.constant 224 : index
      %swap3A_468 = tpu.vector_load %arg9[%swap3A_465, %swap3A_466, %swap3A_467] {strides = array<i32>} : memref<2x80x272xf32, #tpu.memory_space<vmem>>, vector<16xf32>,
      tpu.vector_store %arg9[%swap3A_465, %swap3A_466, %swap3A_467], %broadcast_in_dim3A_0 {strides = array<i32>} : memref<2x80x272xf32, #tpu.memory_space<vmem>>, vector<16xf32>,
      %swap3A_469 = arith.constant 0 : i32
      %swap3A_470 = arith.index_cast %swap3A_469 : i32 to index
      %swap3A_471 = arith.index_cast %scan3A_392 : i32 to index
      %swap3A_472 = arith.constant 240 : index
      %swap3A_473 = tpu.vector_load %arg9[%swap3A_470, %swap3A_471, %swap3A_472] {strides = array<i32>} : memref<2x80x272xf32, #tpu.memory_space<vmem>>, vector<16xf32>,
      tpu.vector_store %arg9[%swap3A_470, %swap3A_471, %swap3A_472], %broadcast_in_dim3A_0 {strides = array<i32>} : memref<2x80x272xf32, #tpu.memory_space<vmem>>, vector<16xf32>,
      %swap3A_474 = arith.constant 0 : i32
      %swap3A_475 = arith.index_cast %swap3A_474 : i32 to index
      %swap3A_476 = arith.index_cast %scan3A_392 : i32 to index
      %swap3A_477 = arith.constant 256 : index
      %swap3A_478 = tpu.vector_load %arg9[%swap3A_475, %swap3A_476, %swap3A_477] {strides = array<i32>} : memref<2x80x272xf32, #tpu.memory_space<vmem>>, vector<16xf32>,
      tpu.vector_store %arg9[%swap3A_475, %swap3A_476, %swap3A_477], %broadcast_in_dim3A_0 {strides = array<i32>} : memref<2x80x272xf32, #tpu.memory_space<vmem>>, vector<16xf32>,
      %scan3A_479 = arith.constant 0 : i32
      scf.yield %scan3A_479 : i32
    }
    %scan3A_9 = arith.constant 80 : i32
    %mul3A_10 = arith.constant 313 : i32
    %mul3A_11 = arith.muli %arg1, %mul3A_10 : i32
    %add3A = arith.constant 0 : i32
    %add3A_12 = arith.addi %mul3A_11, %add3A : i32
    %run_scoped3A = arith.constant 0 : i32
    "tpu.region"() ({
      %run_scoped3A_392 = tpu.sem_alloc : memref<!tpu.dma_semaphore, #tpu.memory_space<semaphore_mem>>
      %dma_start3A_393 = arith.constant 0 : i32
      %dma_start3A_394 = arith.constant 0 : i32
      %dma_start3A_395 = tpu.memref_slice %arg9[%run_scoped3A, %dma_start3A_393, %dma_start3A_394] : memref<2x80x272xf32, #tpu.memory_space<vmem>> -> memref<1x80x272xf32, #tpu.memory_space<vmem>>
      %dma_start3A_396 = tpu.memref_squeeze %dma_start3A_395 : memref<1x80x272xf32, #tpu.memory_space<vmem>> -> memref<80x272xf32, #tpu.memory_space<vmem>>
      %dma_start3A_397 = arith.constant 0 : i32
      %dma_start3A_398 = tpu.memref_slice %arg13[%add3A_12, %dma_start3A_397] : memref<5008x272xf32, #tpu.memory_space<vmem_shared>> -> memref<80x272xf32, #tpu.memory_space<vmem_shared>>
      %dma_start3A_399 = arith.constant 0 : i32
      %dma_start3A_400 = tpu.memref_slice %arg13[%add3A_12, %dma_start3A_399] : memref<5008x272xf32, #tpu.memory_space<vmem_shared>> -> memref<80x272xf32, #tpu.memory_space<vmem_shared>>
      %dma_start3A_401 = arith.constant 0 : i32
      %dma_start3A_402 = arith.constant 0 : i32
      %dma_start3A_403 = tpu.memref_slice %arg9[%run_scoped3A, %dma_start3A_401, %dma_start3A_402] : memref<2x80x272xf32, #tpu.memory_space<vmem>> -> memref<1x80x272xf32, #tpu.memory_space<vmem>>
      %dma_start3A_404 = tpu.memref_squeeze %dma_start3A_403 : memref<1x80x272xf32, #tpu.memory_space<vmem>> -> memref<80x272xf32, #tpu.memory_space<vmem>>
      tpu.enqueue_dma source(%dma_start3A_404 : memref<80x272xf32, #tpu.memory_space<vmem>>) target(%dma_start3A_400 : memref<80x272xf32, #tpu.memory_space<vmem_shared>>) target_semaphore(%run_scoped3A_392 : memref<!tpu.dma_semaphore, #tpu.memory_space<semaphore_mem>>)
      %dma_wait3A_405 = arith.constant 0 : i32
      %dma_wait3A_406 = arith.constant 0 : i32
      %dma_wait3A_407 = tpu.memref_slice %arg9[%run_scoped3A, %dma_wait3A_405, %dma_wait3A_406] : memref<2x80x272xf32, #tpu.memory_space<vmem>> -> memref<1x80x272xf32, #tpu.memory_space<vmem>>
      %dma_wait3A_408 = tpu.memref_squeeze %dma_wait3A_407 : memref<1x80x272xf32, #tpu.memory_space<vmem>> -> memref<80x272xf32, #tpu.memory_space<vmem>>
      %dma_wait3A_409 = arith.constant 0 : i32
      %dma_wait3A_410 = tpu.memref_slice %arg13[%add3A_12, %dma_wait3A_409] : memref<5008x272xf32, #tpu.memory_space<vmem_shared>> -> memref<80x272xf32, #tpu.memory_space<vmem_shared>>
      %dma_wait3A_411 = arith.constant 0 : i32
      %dma_wait3A_412 = tpu.memref_slice %arg13[%add3A_12, %dma_wait3A_411] : memref<5008x272xf32, #tpu.memory_space<vmem_shared>> -> memref<80x272xf32, #tpu.memory_space<vmem_shared>>
      %dma_wait3A_413 = arith.constant 0 : i32
      %dma_wait3A_414 = arith.constant 0 : i32
      %dma_wait3A_415 = tpu.memref_slice %arg9[%run_scoped3A, %dma_wait3A_413, %dma_wait3A_414] : memref<2x80x272xf32, #tpu.memory_space<vmem>> -> memref<1x80x272xf32, #tpu.memory_space<vmem>>
      %dma_wait3A_416 = tpu.memref_squeeze %dma_wait3A_415 : memref<1x80x272xf32, #tpu.memory_space<vmem>> -> memref<80x272xf32, #tpu.memory_space<vmem>>
      tpu.wait_dma2 semaphore(%run_scoped3A_392 : memref<!tpu.dma_semaphore, #tpu.memory_space<semaphore_mem>>) src(%dma_wait3A_416 : memref<80x272xf32, #tpu.memory_space<vmem>>) dst(%dma_wait3A_412 : memref<80x272xf32, #tpu.memory_space<vmem_shared>>)
      tpu.yield
    }) : () -> ()
    %add3A_13 = arith.constant 80 : i32
    %add3A_14 = arith.addi %mul3A_11, %add3A_13 : i32
    %run_scoped3A_15 = arith.constant 0 : i32
    "tpu.region"() ({
      %run_scoped3A_392 = tpu.sem_alloc : memref<!tpu.dma_semaphore, #tpu.memory_space<semaphore_mem>>
      %dma_start3A_393 = arith.constant 0 : i32
      %dma_start3A_394 = arith.constant 0 : i32
      %dma_start3A_395 = tpu.memref_slice %arg9[%run_scoped3A_15, %dma_start3A_393, %dma_start3A_394] : memref<2x80x272xf32, #tpu.memory_space<vmem>> -> memref<1x80x272xf32, #tpu.memory_space<vmem>>
      %dma_start3A_396 = tpu.memref_squeeze %dma_start3A_395 : memref<1x80x272xf32, #tpu.memory_space<vmem>> -> memref<80x272xf32, #tpu.memory_space<vmem>>
      %dma_start3A_397 = arith.constant 0 : i32
      %dma_start3A_398 = tpu.memref_slice %arg13[%add3A_14, %dma_start3A_397] : memref<5008x272xf32, #tpu.memory_space<vmem_shared>> -> memref<80x272xf32, #tpu.memory_space<vmem_shared>>
      %dma_start3A_399 = arith.constant 0 : i32
      %dma_start3A_400 = tpu.memref_slice %arg13[%add3A_14, %dma_start3A_399] : memref<5008x272xf32, #tpu.memory_space<vmem_shared>> -> memref<80x272xf32, #tpu.memory_space<vmem_shared>>
      %dma_start3A_401 = arith.constant 0 : i32
      %dma_start3A_402 = arith.constant 0 : i32
      %dma_start3A_403 = tpu.memref_slice %arg9[%run_scoped3A_15, %dma_start3A_401, %dma_start3A_402] : memref<2x80x272xf32, #tpu.memory_space<vmem>> -> memref<1x80x272xf32, #tpu.memory_space<vmem>>
      %dma_start3A_404 = tpu.memref_squeeze %dma_start3A_403 : memref<1x80x272xf32, #tpu.memory_space<vmem>> -> memref<80x272xf32, #tpu.memory_space<vmem>>
      tpu.enqueue_dma source(%dma_start3A_404 : memref<80x272xf32, #tpu.memory_space<vmem>>) target(%dma_start3A_400 : memref<80x272xf32, #tpu.memory_space<vmem_shared>>) target_semaphore(%run_scoped3A_392 : memref<!tpu.dma_semaphore, #tpu.memory_space<semaphore_mem>>)
      %dma_wait3A_405 = arith.constant 0 : i32
      %dma_wait3A_406 = arith.constant 0 : i32
      %dma_wait3A_407 = tpu.memref_slice %arg9[%run_scoped3A_15, %dma_wait3A_405, %dma_wait3A_406] : memref<2x80x272xf32, #tpu.memory_space<vmem>> -> memref<1x80x272xf32, #tpu.memory_space<vmem>>
      %dma_wait3A_408 = tpu.memref_squeeze %dma_wait3A_407 : memref<1x80x272xf32, #tpu.memory_space<vmem>> -> memref<80x272xf32, #tpu.memory_space<vmem>>
      %dma_wait3A_409 = arith.constant 0 : i32
      %dma_wait3A_410 = tpu.memref_slice %arg13[%add3A_14, %dma_wait3A_409] : memref<5008x272xf32, #tpu.memory_space<vmem_shared>> -> memref<80x272xf32, #tpu.memory_space<vmem_shared>>
      %dma_wait3A_411 = arith.constant 0 : i32
      %dma_wait3A_412 = tpu.memref_slice %arg13[%add3A_14, %dma_wait3A_411] : memref<5008x272xf32, #tpu.memory_space<vmem_shared>> -> memref<80x272xf32, #tpu.memory_space<vmem_shared>>
      %dma_wait3A_413 = arith.constant 0 : i32
      %dma_wait3A_414 = arith.constant 0 : i32
      %dma_wait3A_415 = tpu.memref_slice %arg9[%run_scoped3A_15, %dma_wait3A_413, %dma_wait3A_414] : memref<2x80x272xf32, #tpu.memory_space<vmem>> -> memref<1x80x272xf32, #tpu.memory_space<vmem>>
      %dma_wait3A_416 = tpu.memref_squeeze %dma_wait3A_415 : memref<1x80x272xf32, #tpu.memory_space<vmem>> -> memref<80x272xf32, #tpu.memory_space<vmem>>
      tpu.wait_dma2 semaphore(%run_scoped3A_392 : memref<!tpu.dma_semaphore, #tpu.memory_space<semaphore_mem>>) src(%dma_wait3A_416 : memref<80x272xf32, #tpu.memory_space<vmem>>) dst(%dma_wait3A_412 : memref<80x272xf32, #tpu.memory_space<vmem_shared>>)
      tpu.yield
    }) : () -> ()
    %add3A_16 = arith.constant 160 : i32
    %add3A_17 = arith.addi %mul3A_11, %add3A_16 : i32
    %run_scoped3A_18 = arith.constant 0 : i32
    "tpu.region"() ({
      %run_scoped3A_392 = tpu.sem_alloc : memref<!tpu.dma_semaphore, #tpu.memory_space<semaphore_mem>>
      %dma_start3A_393 = arith.constant 0 : i32
      %dma_start3A_394 = arith.constant 0 : i32
      %dma_start3A_395 = tpu.memref_slice %arg9[%run_scoped3A_18, %dma_start3A_393, %dma_start3A_394] : memref<2x80x272xf32, #tpu.memory_space<vmem>> -> memref<1x80x272xf32, #tpu.memory_space<vmem>>
      %dma_start3A_396 = tpu.memref_squeeze %dma_start3A_395 : memref<1x80x272xf32, #tpu.memory_space<vmem>> -> memref<80x272xf32, #tpu.memory_space<vmem>>
      %dma_start3A_397 = arith.constant 0 : i32
      %dma_start3A_398 = tpu.memref_slice %arg13[%add3A_17, %dma_start3A_397] : memref<5008x272xf32, #tpu.memory_space<vmem_shared>> -> memref<80x272xf32, #tpu.memory_space<vmem_shared>>
      %dma_start3A_399 = arith.constant 0 : i32
      %dma_start3A_400 = tpu.memref_slice %arg13[%add3A_17, %dma_start3A_399] : memref<5008x272xf32, #tpu.memory_space<vmem_shared>> -> memref<80x272xf32, #tpu.memory_space<vmem_shared>>
      %dma_start3A_401 = arith.constant 0 : i32
      %dma_start3A_402 = arith.constant 0 : i32
      %dma_start3A_403 = tpu.memref_slice %arg9[%run_scoped3A_18, %dma_start3A_401, %dma_start3A_402] : memref<2x80x272xf32, #tpu.memory_space<vmem>> -> memref<1x80x272xf32, #tpu.memory_space<vmem>>
      %dma_start3A_404 = tpu.memref_squeeze %dma_start3A_403 : memref<1x80x272xf32, #tpu.memory_space<vmem>> -> memref<80x272xf32, #tpu.memory_space<vmem>>
      tpu.enqueue_dma source(%dma_start3A_404 : memref<80x272xf32, #tpu.memory_space<vmem>>) target(%dma_start3A_400 : memref<80x272xf32, #tpu.memory_space<vmem_shared>>) target_semaphore(%run_scoped3A_392 : memref<!tpu.dma_semaphore, #tpu.memory_space<semaphore_mem>>)
      %dma_wait3A_405 = arith.constant 0 : i32
      %dma_wait3A_406 = arith.constant 0 : i32
      %dma_wait3A_407 = tpu.memref_slice %arg9[%run_scoped3A_18, %dma_wait3A_405, %dma_wait3A_406] : memref<2x80x272xf32, #tpu.memory_space<vmem>> -> memref<1x80x272xf32, #tpu.memory_space<vmem>>
      %dma_wait3A_408 = tpu.memref_squeeze %dma_wait3A_407 : memref<1x80x272xf32, #tpu.memory_space<vmem>> -> memref<80x272xf32, #tpu.memory_space<vmem>>
      %dma_wait3A_409 = arith.constant 0 : i32
      %dma_wait3A_410 = tpu.memref_slice %arg13[%add3A_17, %dma_wait3A_409] : memref<5008x272xf32, #tpu.memory_space<vmem_shared>> -> memref<80x272xf32, #tpu.memory_space<vmem_shared>>
      %dma_wait3A_411 = arith.constant 0 : i32
      %dma_wait3A_412 = tpu.memref_slice %arg13[%add3A_17, %dma_wait3A_411] : memref<5008x272xf32, #tpu.memory_space<vmem_shared>> -> memref<80x272xf32, #tpu.memory_space<vmem_shared>>
      %dma_wait3A_413 = arith.constant 0 : i32
      %dma_wait3A_414 = arith.constant 0 : i32
      %dma_wait3A_415 = tpu.memref_slice %arg9[%run_scoped3A_18, %dma_wait3A_413, %dma_wait3A_414] : memref<2x80x272xf32, #tpu.memory_space<vmem>> -> memref<1x80x272xf32, #tpu.memory_space<vmem>>
      %dma_wait3A_416 = tpu.memref_squeeze %dma_wait3A_415 : memref<1x80x272xf32, #tpu.memory_space<vmem>> -> memref<80x272xf32, #tpu.memory_space<vmem>>
      tpu.wait_dma2 semaphore(%run_scoped3A_392 : memref<!tpu.dma_semaphore, #tpu.memory_space<semaphore_mem>>) src(%dma_wait3A_416 : memref<80x272xf32, #tpu.memory_space<vmem>>) dst(%dma_wait3A_412 : memref<80x272xf32, #tpu.memory_space<vmem_shared>>)
      tpu.yield
    }) : () -> ()
    %add3A_19 = arith.constant 240 : i32
    %add3A_20 = arith.addi %mul3A_11, %add3A_19 : i32
    %run_scoped3A_21 = arith.constant 0 : i32
    "tpu.region"() ({
      %run_scoped3A_392 = tpu.sem_alloc : memref<!tpu.dma_semaphore, #tpu.memory_space<semaphore_mem>>
      %dma_start3A_393 = arith.constant 0 : i32
      %dma_start3A_394 = arith.constant 0 : i32
      %dma_start3A_395 = tpu.memref_slice %arg9[%run_scoped3A_21, %dma_start3A_393, %dma_start3A_394] : memref<2x80x272xf32, #tpu.memory_space<vmem>> -> memref<1x73x272xf32, #tpu.memory_space<vmem>>
      %dma_start3A_396 = tpu.memref_squeeze %dma_start3A_395 : memref<1x73x272xf32, #tpu.memory_space<vmem>> -> memref<73x272xf32, #tpu.memory_space<vmem>>
      %dma_start3A_397 = arith.constant 0 : i32
      %dma_start3A_398 = tpu.memref_slice %arg13[%add3A_20, %dma_start3A_397] : memref<5008x272xf32, #tpu.memory_space<vmem_shared>> -> memref<73x272xf32, #tpu.memory_space<vmem_shared>>
      %dma_start3A_399 = arith.constant 0 : i32
      %dma_start3A_400 = tpu.memref_slice %arg13[%add3A_20, %dma_start3A_399] : memref<5008x272xf32, #tpu.memory_space<vmem_shared>> -> memref<73x272xf32, #tpu.memory_space<vmem_shared>>
      %dma_start3A_401 = arith.constant 0 : i32
      %dma_start3A_402 = arith.constant 0 : i32
      %dma_start3A_403 = tpu.memref_slice %arg9[%run_scoped3A_21, %dma_start3A_401, %dma_start3A_402] : memref<2x80x272xf32, #tpu.memory_space<vmem>> -> memref<1x73x272xf32, #tpu.memory_space<vmem>>
      %dma_start3A_404 = tpu.memref_squeeze %dma_start3A_403 : memref<1x73x272xf32, #tpu.memory_space<vmem>> -> memref<73x272xf32, #tpu.memory_space<vmem>>
      tpu.enqueue_dma source(%dma_start3A_404 : memref<73x272xf32, #tpu.memory_space<vmem>>) target(%dma_start3A_400 : memref<73x272xf32, #tpu.memory_space<vmem_shared>>) target_semaphore(%run_scoped3A_392 : memref<!tpu.dma_semaphore, #tpu.memory_space<semaphore_mem>>)
      %dma_wait3A_405 = arith.constant 0 : i32
      %dma_wait3A_406 = arith.constant 0 : i32
      %dma_wait3A_407 = tpu.memref_slice %arg9[%run_scoped3A_21, %dma_wait3A_405, %dma_wait3A_406] : memref<2x80x272xf32, #tpu.memory_space<vmem>> -> memref<1x73x272xf32, #tpu.memory_space<vmem>>
      %dma_wait3A_408 = tpu.memref_squeeze %dma_wait3A_407 : memref<1x73x272xf32, #tpu.memory_space<vmem>> -> memref<73x272xf32, #tpu.memory_space<vmem>>
      %dma_wait3A_409 = arith.constant 0 : i32
      %dma_wait3A_410 = tpu.memref_slice %arg13[%add3A_20, %dma_wait3A_409] : memref<5008x272xf32, #tpu.memory_space<vmem_shared>> -> memref<73x272xf32, #tpu.memory_space<vmem_shared>>
      %dma_wait3A_411 = arith.constant 0 : i32
      %dma_wait3A_412 = tpu.memref_slice %arg13[%add3A_20, %dma_wait3A_411] : memref<5008x272xf32, #tpu.memory_space<vmem_shared>> -> memref<73x272xf32, #tpu.memory_space<vmem_shared>>
      %dma_wait3A_413 = arith.constant 0 : i32
      %dma_wait3A_414 = arith.constant 0 : i32
      %dma_wait3A_415 = tpu.memref_slice %arg9[%run_scoped3A_21, %dma_wait3A_413, %dma_wait3A_414] : memref<2x80x272xf32, #tpu.memory_space<vmem>> -> memref<1x73x272xf32, #tpu.memory_space<vmem>>
      %dma_wait3A_416 = tpu.memref_squeeze %dma_wait3A_415 : memref<1x73x272xf32, #tpu.memory_space<vmem>> -> memref<73x272xf32, #tpu.memory_space<vmem>>
      tpu.wait_dma2 semaphore(%run_scoped3A_392 : memref<!tpu.dma_semaphore, #tpu.memory_space<semaphore_mem>>) src(%dma_wait3A_416 : memref<73x272xf32, #tpu.memory_space<vmem>>) dst(%dma_wait3A_412 : memref<73x272xf32, #tpu.memory_space<vmem_shared>>)
      tpu.yield
    }) : () -> ()
    %barrier3A = arith.constant 0 : index
    tpu.barrier barrier_id(%barrier3A)
    %add3A_22 = arith.constant 0 : i32
    %add3A_23 = arith.addi %mul3A_1, %add3A_22 : i32
    %mul3A_24 = arith.constant 4 : i32
    %mul3A_25 = arith.muli %add3A_23, %mul3A_24 : i32
    %dma_start3A = arith.constant 0 : i32
    %dma_start3A_26 = arith.constant 0 : i32
    %dma_start3A_27 = arith.constant 0 : i32
    %dma_start3A_28 = tpu.memref_slice %arg5[%dma_start3A, %dma_start3A_27] : memref<2x320xi32, #tpu.memory_space<vmem>> -> memref<1x320xi32, #tpu.memory_space<vmem>>
    %dma_start3A_29 = tpu.memref_squeeze %dma_start3A_28 : memref<1x320xi32, #tpu.memory_space<vmem>> -> memref<320xi32, #tpu.memory_space<vmem>>
    %dma_start3A_30 = tpu.memref_slice %arg2[%mul3A_25] : memref<641024xi32, #tpu.memory_space<hbm>> -> memref<320xi32, #tpu.memory_space<hbm>>
    %dma_start3A_31 = tpu.memref_slice %arg10[%dma_start3A_26] : memref<2x!tpu.dma_semaphore, #tpu.memory_space<semaphore_mem>> -> memref<1x!tpu.dma_semaphore, #tpu.memory_space<semaphore_mem>>
    %dma_start3A_32 = tpu.memref_squeeze %dma_start3A_31 : memref<1x!tpu.dma_semaphore, #tpu.memory_space<semaphore_mem>> -> memref<!tpu.dma_semaphore, #tpu.memory_space<semaphore_mem>>
    %dma_start3A_33 = arith.constant 0 : i32
    %dma_start3A_34 = tpu.memref_slice %arg5[%dma_start3A, %dma_start3A_33] : memref<2x320xi32, #tpu.memory_space<vmem>> -> memref<1x320xi32, #tpu.memory_space<vmem>>
    %dma_start3A_35 = tpu.memref_squeeze %dma_start3A_34 : memref<1x320xi32, #tpu.memory_space<vmem>> -> memref<320xi32, #tpu.memory_space<vmem>>
    %dma_start3A_36 = tpu.memref_slice %arg2[%mul3A_25] : memref<641024xi32, #tpu.memory_space<hbm>> -> memref<320xi32, #tpu.memory_space<hbm>>
    tpu.enqueue_dma source(%dma_start3A_36 : memref<320xi32, #tpu.memory_space<hbm>>) target(%dma_start3A_35 : memref<320xi32, #tpu.memory_space<vmem>>) target_semaphore(%dma_start3A_32 : memref<!tpu.dma_semaphore, #tpu.memory_space<semaphore_mem>>)
    %mul3A_37 = arith.constant 4 : i32
    %mul3A_38 = arith.muli %mul3A_1, %mul3A_37 : i32
    %dma_wait3A = arith.constant 0 : i32
    %dma_wait3A_39 = arith.constant 0 : i32
    %dma_wait3A_40 = arith.constant 0 : i32
    %dma_wait3A_41 = tpu.memref_slice %arg5[%dma_wait3A, %dma_wait3A_40] : memref<2x320xi32, #tpu.memory_space<vmem>> -> memref<1x320xi32, #tpu.memory_space<vmem>>
    %dma_wait3A_42 = tpu.memref_squeeze %dma_wait3A_41 : memref<1x320xi32, #tpu.memory_space<vmem>> -> memref<320xi32, #tpu.memory_space<vmem>>
    %dma_wait3A_43 = tpu.memref_slice %arg2[%mul3A_38] : memref<641024xi32, #tpu.memory_space<hbm>> -> memref<320xi32, #tpu.memory_space<hbm>>
    %dma_wait3A_44 = tpu.memref_slice %arg10[%dma_wait3A_39] : memref<2x!tpu.dma_semaphore, #tpu.memory_space<semaphore_mem>> -> memref<1x!tpu.dma_semaphore, #tpu.memory_space<semaphore_mem>>
    %dma_wait3A_45 = tpu.memref_squeeze %dma_wait3A_44 : memref<1x!tpu.dma_semaphore, #tpu.memory_space<semaphore_mem>> -> memref<!tpu.dma_semaphore, #tpu.memory_space<semaphore_mem>>
    %dma_wait3A_46 = arith.constant 0 : i32
    %dma_wait3A_47 = tpu.memref_slice %arg5[%dma_wait3A, %dma_wait3A_46] : memref<2x320xi32, #tpu.memory_space<vmem>> -> memref<1x320xi32, #tpu.memory_space<vmem>>
    %dma_wait3A_48 = tpu.memref_squeeze %dma_wait3A_47 : memref<1x320xi32, #tpu.memory_space<vmem>> -> memref<320xi32, #tpu.memory_space<vmem>>
    %dma_wait3A_49 = tpu.memref_slice %arg2[%mul3A_38] : memref<641024xi32, #tpu.memory_space<hbm>> -> memref<320xi32, #tpu.memory_space<hbm>>
    tpu.wait_dma2 semaphore(%dma_wait3A_45 : memref<!tpu.dma_semaphore, #tpu.memory_space<semaphore_mem>>) src(%dma_wait3A_49 : memref<320xi32, #tpu.memory_space<hbm>>) dst(%dma_wait3A_48 : memref<320xi32, #tpu.memory_space<vmem>>)
    %add3A_50 = arith.constant 0 : i32
    %add3A_51 = vector.broadcast %add3A_50 : i32 to vector<16xi32>
    %add3A_52 = arith.addi %add3A_51, %iota3A : vector<16xi32>
    %mul3A_53 = arith.constant 4 : i32
    %mul3A_54 = vector.broadcast %mul3A_53 : i32 to vector<16xi32>
    %mul3A_55 = arith.muli %add3A_52, %mul3A_54 : vector<16xi32>
    %gather3A = arith.constant 0 : i32
    %gather3A_56 = arith.constant 0 : i32
    %gather3A_57 = tpu.memref_slice %arg5[%gather3A, %gather3A_56] : memref<2x320xi32, #tpu.memory_space<vmem>> -> memref<1x320xi32, #tpu.memory_space<vmem>>
    %gather3A_58 = tpu.memref_squeeze %gather3A_57 : memref<1x320xi32, #tpu.memory_space<vmem>> -> memref<320xi32, #tpu.memory_space<vmem>>
    %gather3A_59 = tpu.vector_load_idx %gather3A_58[%mul3A_55] : memref<320xi32, #tpu.memory_space<vmem>>[vector<16xi32>], vector<16xi32>,
    %swap3A = arith.constant 0 : i32
    %swap3A_60 = arith.index_cast %swap3A : i32 to index
    %swap3A_61 = arith.constant 0 : index
    %swap3A_62 = tpu.vector_load %arg6[%swap3A_60, %swap3A_61] {strides = array<i32>} : memref<2x80xi32, #tpu.memory_space<vmem>>, vector<16xi32>,
    tpu.vector_store %arg6[%swap3A_60, %swap3A_61], %gather3A_59 {strides = array<i32>} : memref<2x80xi32, #tpu.memory_space<vmem>>, vector<16xi32>,
    %add3A_63 = arith.constant 2 : i32
    %add3A_64 = vector.broadcast %add3A_63 : i32 to vector<16xi32>
    %add3A_65 = arith.addi %mul3A_55, %add3A_64 : vector<16xi32>
    %gather3A_66 = arith.constant 0 : i32
    %gather3A_67 = arith.constant 0 : i32
    %gather3A_68 = tpu.memref_slice %arg5[%gather3A_66, %gather3A_67] : memref<2x320xi32, #tpu.memory_space<vmem>> -> memref<1x320xi32, #tpu.memory_space<vmem>>
    %gather3A_69 = tpu.memref_squeeze %gather3A_68 : memref<1x320xi32, #tpu.memory_space<vmem>> -> memref<320xi32, #tpu.memory_space<vmem>>
    %gather3A_70 = tpu.vector_load_idx %gather3A_69[%add3A_65] : memref<320xi32, #tpu.memory_space<vmem>>[vector<16xi32>], vector<16xi32>,
    %bitcast3A = vector.bitcast %gather3A_70 : vector<16xi32> to vector<16xf32>
    %swap3A_71 = arith.constant 0 : i32
    %swap3A_72 = arith.index_cast %swap3A_71 : i32 to index
    %swap3A_73 = arith.constant 0 : index
    %swap3A_74 = tpu.vector_load %arg7[%swap3A_72, %swap3A_73] {strides = array<i32>} : memref<2x80xf32, #tpu.memory_space<vmem>>, vector<16xf32>,
    tpu.vector_store %arg7[%swap3A_72, %swap3A_73], %bitcast3A {strides = array<i32>} : memref<2x80xf32, #tpu.memory_space<vmem>>, vector<16xf32>,
    %add3A_75 = arith.constant 1 : i32
    %add3A_76 = vector.broadcast %add3A_75 : i32 to vector<16xi32>
    %add3A_77 = arith.addi %mul3A_55, %add3A_76 : vector<16xi32>
    %gather3A_78 = arith.constant 0 : i32
    %gather3A_79 = arith.constant 0 : i32
    %gather3A_80 = tpu.memref_slice %arg5[%gather3A_78, %gather3A_79] : memref<2x320xi32, #tpu.memory_space<vmem>> -> memref<1x320xi32, #tpu.memory_space<vmem>>
    %gather3A_81 = tpu.memref_squeeze %gather3A_80 : memref<1x320xi32, #tpu.memory_space<vmem>> -> memref<320xi32, #tpu.memory_space<vmem>>
    %gather3A_82 = tpu.vector_load_idx %gather3A_81[%add3A_77] : memref<320xi32, #tpu.memory_space<vmem>>[vector<16xi32>], vector<16xi32>,
    %sub3A = vector.broadcast %mul3A_3 : i32 to vector<16xi32>
    %sub3A_83 = arith.subi %gather3A_82, %sub3A : vector<16xi32>
    %ge3A = arith.constant 0 : i32
    %ge3A_84 = vector.broadcast %ge3A : i32 to vector<16xi32>
    %ge3A_85 = arith.cmpi sge, %sub3A_83, %ge3A_84 : vector<16xi32>
    %lt3A = arith.constant 5000 : i32
    %lt3A_86 = vector.broadcast %lt3A : i32 to vector<16xi32>
    %lt3A_87 = arith.cmpi slt, %sub3A_83, %lt3A_86 : vector<16xi32>
    %and3A = arith.andi %ge3A_85, %lt3A_87 : vector<16xi1>
    %jit3A = arith.constant 5000 : i32
    %broadcast_in_dim3A_88 = vector.broadcast %jit3A : i32 to vector<16xi32>
    %select_n3A = arith.select %and3A, %sub3A_83, %broadcast_in_dim3A_88 : vector<16xi1>, vector<16xi32>
    %swap3A_89 = arith.constant 0 : i32
    %swap3A_90 = arith.index_cast %swap3A_89 : i32 to index
    %swap3A_91 = arith.constant 0 : index
    %swap3A_92 = tpu.vector_load %arg8[%swap3A_90, %swap3A_91] {strides = array<i32>} : memref<2x80xi32, #tpu.memory_space<vmem>>, vector<16xi32>,
    tpu.vector_store %arg8[%swap3A_90, %swap3A_91], %select_n3A {strides = array<i32>} : memref<2x80xi32, #tpu.memory_space<vmem>>, vector<16xi32>,
    %add3A_93 = arith.constant 16 : i32
    %add3A_94 = vector.broadcast %add3A_93 : i32 to vector<16xi32>
    %add3A_95 = arith.addi %add3A_94, %iota3A : vector<16xi32>
    %mul3A_96 = arith.constant 4 : i32
    %mul3A_97 = vector.broadcast %mul3A_96 : i32 to vector<16xi32>
    %mul3A_98 = arith.muli %add3A_95, %mul3A_97 : vector<16xi32>
    %gather3A_99 = arith.constant 0 : i32
    %gather3A_100 = arith.constant 0 : i32
    %gather3A_101 = tpu.memref_slice %arg5[%gather3A_99, %gather3A_100] : memref<2x320xi32, #tpu.memory_space<vmem>> -> memref<1x320xi32, #tpu.memory_space<vmem>>
    %gather3A_102 = tpu.memref_squeeze %gather3A_101 : memref<1x320xi32, #tpu.memory_space<vmem>> -> memref<320xi32, #tpu.memory_space<vmem>>
    %gather3A_103 = tpu.vector_load_idx %gather3A_102[%mul3A_98] : memref<320xi32, #tpu.memory_space<vmem>>[vector<16xi32>], vector<16xi32>,
    %swap3A_104 = arith.constant 0 : i32
    %swap3A_105 = arith.index_cast %swap3A_104 : i32 to index
    %swap3A_106 = arith.constant 16 : index
    %swap3A_107 = tpu.vector_load %arg6[%swap3A_105, %swap3A_106] {strides = array<i32>} : memref<2x80xi32, #tpu.memory_space<vmem>>, vector<16xi32>,
    tpu.vector_store %arg6[%swap3A_105, %swap3A_106], %gather3A_103 {strides = array<i32>} : memref<2x80xi32, #tpu.memory_space<vmem>>, vector<16xi32>,
    %add3A_108 = arith.constant 2 : i32
    %add3A_109 = vector.broadcast %add3A_108 : i32 to vector<16xi32>
    %add3A_110 = arith.addi %mul3A_98, %add3A_109 : vector<16xi32>
    %gather3A_111 = arith.constant 0 : i32
    %gather3A_112 = arith.constant 0 : i32
    %gather3A_113 = tpu.memref_slice %arg5[%gather3A_111, %gather3A_112] : memref<2x320xi32, #tpu.memory_space<vmem>> -> memref<1x320xi32, #tpu.memory_space<vmem>>
    %gather3A_114 = tpu.memref_squeeze %gather3A_113 : memref<1x320xi32, #tpu.memory_space<vmem>> -> memref<320xi32, #tpu.memory_space<vmem>>
    %gather3A_115 = tpu.vector_load_idx %gather3A_114[%add3A_110] : memref<320xi32, #tpu.memory_space<vmem>>[vector<16xi32>], vector<16xi32>,
    %bitcast3A_116 = vector.bitcast %gather3A_115 : vector<16xi32> to vector<16xf32>
    %swap3A_117 = arith.constant 0 : i32
    %swap3A_118 = arith.index_cast %swap3A_117 : i32 to index
    %swap3A_119 = arith.constant 16 : index
    %swap3A_120 = tpu.vector_load %arg7[%swap3A_118, %swap3A_119] {strides = array<i32>} : memref<2x80xf32, #tpu.memory_space<vmem>>, vector<16xf32>,
    tpu.vector_store %arg7[%swap3A_118, %swap3A_119], %bitcast3A_116 {strides = array<i32>} : memref<2x80xf32, #tpu.memory_space<vmem>>, vector<16xf32>,
    %add3A_121 = arith.constant 1 : i32
    %add3A_122 = vector.broadcast %add3A_121 : i32 to vector<16xi32>
    %add3A_123 = arith.addi %mul3A_98, %add3A_122 : vector<16xi32>
    %gather3A_124 = arith.constant 0 : i32
    %gather3A_125 = arith.constant 0 : i32
    %gather3A_126 = tpu.memref_slice %arg5[%gather3A_124, %gather3A_125] : memref<2x320xi32, #tpu.memory_space<vmem>> -> memref<1x320xi32, #tpu.memory_space<vmem>>
    %gather3A_127 = tpu.memref_squeeze %gather3A_126 : memref<1x320xi32, #tpu.memory_space<vmem>> -> memref<320xi32, #tpu.memory_space<vmem>>
    %gather3A_128 = tpu.vector_load_idx %gather3A_127[%add3A_123] : memref<320xi32, #tpu.memory_space<vmem>>[vector<16xi32>], vector<16xi32>,
    %sub3A_129 = vector.broadcast %mul3A_3 : i32 to vector<16xi32>
    %sub3A_130 = arith.subi %gather3A_128, %sub3A_129 : vector<16xi32>
    %ge3A_131 = arith.constant 0 : i32
    %ge3A_132 = vector.broadcast %ge3A_131 : i32 to vector<16xi32>
    %ge3A_133 = arith.cmpi sge, %sub3A_130, %ge3A_132 : vector<16xi32>
    %lt3A_134 = arith.constant 5000 : i32
    %lt3A_135 = vector.broadcast %lt3A_134 : i32 to vector<16xi32>
    %lt3A_136 = arith.cmpi slt, %sub3A_130, %lt3A_135 : vector<16xi32>
    %and3A_137 = arith.andi %ge3A_133, %lt3A_136 : vector<16xi1>
    %jit3A_138 = arith.constant 5000 : i32
    %broadcast_in_dim3A_139 = vector.broadcast %jit3A_138 : i32 to vector<16xi32>
    %select_n3A_140 = arith.select %and3A_137, %sub3A_130, %broadcast_in_dim3A_139 : vector<16xi1>, vector<16xi32>
    %swap3A_141 = arith.constant 0 : i32
    %swap3A_142 = arith.index_cast %swap3A_141 : i32 to index
    %swap3A_143 = arith.constant 16 : index
    %swap3A_144 = tpu.vector_load %arg8[%swap3A_142, %swap3A_143] {strides = array<i32>} : memref<2x80xi32, #tpu.memory_space<vmem>>, vector<16xi32>,
    tpu.vector_store %arg8[%swap3A_142, %swap3A_143], %select_n3A_140 {strides = array<i32>} : memref<2x80xi32, #tpu.memory_space<vmem>>, vector<16xi32>,
    %add3A_145 = arith.constant 32 : i32
    %add3A_146 = vector.broadcast %add3A_145 : i32 to vector<16xi32>
    %add3A_147 = arith.addi %add3A_146, %iota3A : vector<16xi32>
    %mul3A_148 = arith.constant 4 : i32
    %mul3A_149 = vector.broadcast %mul3A_148 : i32 to vector<16xi32>
    %mul3A_150 = arith.muli %add3A_147, %mul3A_149 : vector<16xi32>
    %gather3A_151 = arith.constant 0 : i32
    %gather3A_152 = arith.constant 0 : i32
    %gather3A_153 = tpu.memref_slice %arg5[%gather3A_151, %gather3A_152] : memref<2x320xi32, #tpu.memory_space<vmem>> -> memref<1x320xi32, #tpu.memory_space<vmem>>
    %gather3A_154 = tpu.memref_squeeze %gather3A_153 : memref<1x320xi32, #tpu.memory_space<vmem>> -> memref<320xi32, #tpu.memory_space<vmem>>
    %gather3A_155 = tpu.vector_load_idx %gather3A_154[%mul3A_150] : memref<320xi32, #tpu.memory_space<vmem>>[vector<16xi32>], vector<16xi32>,
    %swap3A_156 = arith.constant 0 : i32
    %swap3A_157 = arith.index_cast %swap3A_156 : i32 to index
    %swap3A_158 = arith.constant 32 : index
    %swap3A_159 = tpu.vector_load %arg6[%swap3A_157, %swap3A_158] {strides = array<i32>} : memref<2x80xi32, #tpu.memory_space<vmem>>, vector<16xi32>,
    tpu.vector_store %arg6[%swap3A_157, %swap3A_158], %gather3A_155 {strides = array<i32>} : memref<2x80xi32, #tpu.memory_space<vmem>>, vector<16xi32>,
    %add3A_160 = arith.constant 2 : i32
    %add3A_161 = vector.broadcast %add3A_160 : i32 to vector<16xi32>
    %add3A_162 = arith.addi %mul3A_150, %add3A_161 : vector<16xi32>
    %gather3A_163 = arith.constant 0 : i32
    %gather3A_164 = arith.constant 0 : i32
    %gather3A_165 = tpu.memref_slice %arg5[%gather3A_163, %gather3A_164] : memref<2x320xi32, #tpu.memory_space<vmem>> -> memref<1x320xi32, #tpu.memory_space<vmem>>
    %gather3A_166 = tpu.memref_squeeze %gather3A_165 : memref<1x320xi32, #tpu.memory_space<vmem>> -> memref<320xi32, #tpu.memory_space<vmem>>
    %gather3A_167 = tpu.vector_load_idx %gather3A_166[%add3A_162] : memref<320xi32, #tpu.memory_space<vmem>>[vector<16xi32>], vector<16xi32>,
    %bitcast3A_168 = vector.bitcast %gather3A_167 : vector<16xi32> to vector<16xf32>
    %swap3A_169 = arith.constant 0 : i32
    %swap3A_170 = arith.index_cast %swap3A_169 : i32 to index
    %swap3A_171 = arith.constant 32 : index
    %swap3A_172 = tpu.vector_load %arg7[%swap3A_170, %swap3A_171] {strides = array<i32>} : memref<2x80xf32, #tpu.memory_space<vmem>>, vector<16xf32>,
    tpu.vector_store %arg7[%swap3A_170, %swap3A_171], %bitcast3A_168 {strides = array<i32>} : memref<2x80xf32, #tpu.memory_space<vmem>>, vector<16xf32>,
    %add3A_173 = arith.constant 1 : i32
    %add3A_174 = vector.broadcast %add3A_173 : i32 to vector<16xi32>
    %add3A_175 = arith.addi %mul3A_150, %add3A_174 : vector<16xi32>
    %gather3A_176 = arith.constant 0 : i32
    %gather3A_177 = arith.constant 0 : i32
    %gather3A_178 = tpu.memref_slice %arg5[%gather3A_176, %gather3A_177] : memref<2x320xi32, #tpu.memory_space<vmem>> -> memref<1x320xi32, #tpu.memory_space<vmem>>
    %gather3A_179 = tpu.memref_squeeze %gather3A_178 : memref<1x320xi32, #tpu.memory_space<vmem>> -> memref<320xi32, #tpu.memory_space<vmem>>
    %gather3A_180 = tpu.vector_load_idx %gather3A_179[%add3A_175] : memref<320xi32, #tpu.memory_space<vmem>>[vector<16xi32>], vector<16xi32>,
    %sub3A_181 = vector.broadcast %mul3A_3 : i32 to vector<16xi32>
    %sub3A_182 = arith.subi %gather3A_180, %sub3A_181 : vector<16xi32>
    %ge3A_183 = arith.constant 0 : i32
    %ge3A_184 = vector.broadcast %ge3A_183 : i32 to vector<16xi32>
    %ge3A_185 = arith.cmpi sge, %sub3A_182, %ge3A_184 : vector<16xi32>
    %lt3A_186 = arith.constant 5000 : i32
    %lt3A_187 = vector.broadcast %lt3A_186 : i32 to vector<16xi32>
    %lt3A_188 = arith.cmpi slt, %sub3A_182, %lt3A_187 : vector<16xi32>
    %and3A_189 = arith.andi %ge3A_185, %lt3A_188 : vector<16xi1>
    %jit3A_190 = arith.constant 5000 : i32
    %broadcast_in_dim3A_191 = vector.broadcast %jit3A_190 : i32 to vector<16xi32>
    %select_n3A_192 = arith.select %and3A_189, %sub3A_182, %broadcast_in_dim3A_191 : vector<16xi1>, vector<16xi32>
    %swap3A_193 = arith.constant 0 : i32
    %swap3A_194 = arith.index_cast %swap3A_193 : i32 to index
    %swap3A_195 = arith.constant 32 : index
    %swap3A_196 = tpu.vector_load %arg8[%swap3A_194, %swap3A_195] {strides = array<i32>} : memref<2x80xi32, #tpu.memory_space<vmem>>, vector<16xi32>,
    tpu.vector_store %arg8[%swap3A_194, %swap3A_195], %select_n3A_192 {strides = array<i32>} : memref<2x80xi32, #tpu.memory_space<vmem>>, vector<16xi32>,
    %add3A_197 = arith.constant 48 : i32
    %add3A_198 = vector.broadcast %add3A_197 : i32 to vector<16xi32>
    %add3A_199 = arith.addi %add3A_198, %iota3A : vector<16xi32>
    %mul3A_200 = arith.constant 4 : i32
    %mul3A_201 = vector.broadcast %mul3A_200 : i32 to vector<16xi32>
    %mul3A_202 = arith.muli %add3A_199, %mul3A_201 : vector<16xi32>
    %gather3A_203 = arith.constant 0 : i32
    %gather3A_204 = arith.constant 0 : i32
    %gather3A_205 = tpu.memref_slice %arg5[%gather3A_203, %gather3A_204] : memref<2x320xi32, #tpu.memory_space<vmem>> -> memref<1x320xi32, #tpu.memory_space<vmem>>
    %gather3A_206 = tpu.memref_squeeze %gather3A_205 : memref<1x320xi32, #tpu.memory_space<vmem>> -> memref<320xi32, #tpu.memory_space<vmem>>
    %gather3A_207 = tpu.vector_load_idx %gather3A_206[%mul3A_202] : memref<320xi32, #tpu.memory_space<vmem>>[vector<16xi32>], vector<16xi32>,
    %swap3A_208 = arith.constant 0 : i32
    %swap3A_209 = arith.index_cast %swap3A_208 : i32 to index
    %swap3A_210 = arith.constant 48 : index
    %swap3A_211 = tpu.vector_load %arg6[%swap3A_209, %swap3A_210] {strides = array<i32>} : memref<2x80xi32, #tpu.memory_space<vmem>>, vector<16xi32>,
    tpu.vector_store %arg6[%swap3A_209, %swap3A_210], %gather3A_207 {strides = array<i32>} : memref<2x80xi32, #tpu.memory_space<vmem>>, vector<16xi32>,
    %add3A_212 = arith.constant 2 : i32
    %add3A_213 = vector.broadcast %add3A_212 : i32 to vector<16xi32>
    %add3A_214 = arith.addi %mul3A_202, %add3A_213 : vector<16xi32>
    %gather3A_215 = arith.constant 0 : i32
    %gather3A_216 = arith.constant 0 : i32
    %gather3A_217 = tpu.memref_slice %arg5[%gather3A_215, %gather3A_216] : memref<2x320xi32, #tpu.memory_space<vmem>> -> memref<1x320xi32, #tpu.memory_space<vmem>>
    %gather3A_218 = tpu.memref_squeeze %gather3A_217 : memref<1x320xi32, #tpu.memory_space<vmem>> -> memref<320xi32, #tpu.memory_space<vmem>>
    %gather3A_219 = tpu.vector_load_idx %gather3A_218[%add3A_214] : memref<320xi32, #tpu.memory_space<vmem>>[vector<16xi32>], vector<16xi32>,
    %bitcast3A_220 = vector.bitcast %gather3A_219 : vector<16xi32> to vector<16xf32>
    %swap3A_221 = arith.constant 0 : i32
    %swap3A_222 = arith.index_cast %swap3A_221 : i32 to index
    %swap3A_223 = arith.constant 48 : index
    %swap3A_224 = tpu.vector_load %arg7[%swap3A_222, %swap3A_223] {strides = array<i32>} : memref<2x80xf32, #tpu.memory_space<vmem>>, vector<16xf32>,
    tpu.vector_store %arg7[%swap3A_222, %swap3A_223], %bitcast3A_220 {strides = array<i32>} : memref<2x80xf32, #tpu.memory_space<vmem>>, vector<16xf32>,
    %add3A_225 = arith.constant 1 : i32
    %add3A_226 = vector.broadcast %add3A_225 : i32 to vector<16xi32>
    %add3A_227 = arith.addi %mul3A_202, %add3A_226 : vector<16xi32>
    %gather3A_228 = arith.constant 0 : i32
    %gather3A_229 = arith.constant 0 : i32
    %gather3A_230 = tpu.memref_slice %arg5[%gather3A_228, %gather3A_229] : memref<2x320xi32, #tpu.memory_space<vmem>> -> memref<1x320xi32, #tpu.memory_space<vmem>>
    %gather3A_231 = tpu.memref_squeeze %gather3A_230 : memref<1x320xi32, #tpu.memory_space<vmem>> -> memref<320xi32, #tpu.memory_space<vmem>>
    %gather3A_232 = tpu.vector_load_idx %gather3A_231[%add3A_227] : memref<320xi32, #tpu.memory_space<vmem>>[vector<16xi32>], vector<16xi32>,
    %sub3A_233 = vector.broadcast %mul3A_3 : i32 to vector<16xi32>
    %sub3A_234 = arith.subi %gather3A_232, %sub3A_233 : vector<16xi32>
    %ge3A_235 = arith.constant 0 : i32
    %ge3A_236 = vector.broadcast %ge3A_235 : i32 to vector<16xi32>
    %ge3A_237 = arith.cmpi sge, %sub3A_234, %ge3A_236 : vector<16xi32>
    %lt3A_238 = arith.constant 5000 : i32
    %lt3A_239 = vector.broadcast %lt3A_238 : i32 to vector<16xi32>
    %lt3A_240 = arith.cmpi slt, %sub3A_234, %lt3A_239 : vector<16xi32>
    %and3A_241 = arith.andi %ge3A_237, %lt3A_240 : vector<16xi1>
    %jit3A_242 = arith.constant 5000 : i32
    %broadcast_in_dim3A_243 = vector.broadcast %jit3A_242 : i32 to vector<16xi32>
    %select_n3A_244 = arith.select %and3A_241, %sub3A_234, %broadcast_in_dim3A_243 : vector<16xi1>, vector<16xi32>
    %swap3A_245 = arith.constant 0 : i32
    %swap3A_246 = arith.index_cast %swap3A_245 : i32 to index
    %swap3A_247 = arith.constant 48 : index
    %swap3A_248 = tpu.vector_load %arg8[%swap3A_246, %swap3A_247] {strides = array<i32>} : memref<2x80xi32, #tpu.memory_space<vmem>>, vector<16xi32>,
    tpu.vector_store %arg8[%swap3A_246, %swap3A_247], %select_n3A_244 {strides = array<i32>} : memref<2x80xi32, #tpu.memory_space<vmem>>, vector<16xi32>,
    %add3A_249 = arith.constant 64 : i32
    %add3A_250 = vector.broadcast %add3A_249 : i32 to vector<16xi32>
    %add3A_251 = arith.addi %add3A_250, %iota3A : vector<16xi32>
    %mul3A_252 = arith.constant 4 : i32
    %mul3A_253 = vector.broadcast %mul3A_252 : i32 to vector<16xi32>
    %mul3A_254 = arith.muli %add3A_251, %mul3A_253 : vector<16xi32>
    %gather3A_255 = arith.constant 0 : i32
    %gather3A_256 = arith.constant 0 : i32
    %gather3A_257 = tpu.memref_slice %arg5[%gather3A_255, %gather3A_256] : memref<2x320xi32, #tpu.memory_space<vmem>> -> memref<1x320xi32, #tpu.memory_space<vmem>>
    %gather3A_258 = tpu.memref_squeeze %gather3A_257 : memref<1x320xi32, #tpu.memory_space<vmem>> -> memref<320xi32, #tpu.memory_space<vmem>>
    %gather3A_259 = tpu.vector_load_idx %gather3A_258[%mul3A_254] : memref<320xi32, #tpu.memory_space<vmem>>[vector<16xi32>], vector<16xi32>,
    %swap3A_260 = arith.constant 0 : i32
    %swap3A_261 = arith.index_cast %swap3A_260 : i32 to index
    %swap3A_262 = arith.constant 64 : index
    %swap3A_263 = tpu.vector_load %arg6[%swap3A_261, %swap3A_262] {strides = array<i32>} : memref<2x80xi32, #tpu.memory_space<vmem>>, vector<16xi32>,
    tpu.vector_store %arg6[%swap3A_261, %swap3A_262], %gather3A_259 {strides = array<i32>} : memref<2x80xi32, #tpu.memory_space<vmem>>, vector<16xi32>,
    %add3A_264 = arith.constant 2 : i32
    %add3A_265 = vector.broadcast %add3A_264 : i32 to vector<16xi32>
    %add3A_266 = arith.addi %mul3A_254, %add3A_265 : vector<16xi32>
    %gather3A_267 = arith.constant 0 : i32
    %gather3A_268 = arith.constant 0 : i32
    %gather3A_269 = tpu.memref_slice %arg5[%gather3A_267, %gather3A_268] : memref<2x320xi32, #tpu.memory_space<vmem>> -> memref<1x320xi32, #tpu.memory_space<vmem>>
    %gather3A_270 = tpu.memref_squeeze %gather3A_269 : memref<1x320xi32, #tpu.memory_space<vmem>> -> memref<320xi32, #tpu.memory_space<vmem>>
    %gather3A_271 = tpu.vector_load_idx %gather3A_270[%add3A_266] : memref<320xi32, #tpu.memory_space<vmem>>[vector<16xi32>], vector<16xi32>,
    %bitcast3A_272 = vector.bitcast %gather3A_271 : vector<16xi32> to vector<16xf32>
    %swap3A_273 = arith.constant 0 : i32
    %swap3A_274 = arith.index_cast %swap3A_273 : i32 to index
    %swap3A_275 = arith.constant 64 : index
    %swap3A_276 = tpu.vector_load %arg7[%swap3A_274, %swap3A_275] {strides = array<i32>} : memref<2x80xf32, #tpu.memory_space<vmem>>, vector<16xf32>,
    tpu.vector_store %arg7[%swap3A_274, %swap3A_275], %bitcast3A_272 {strides = array<i32>} : memref<2x80xf32, #tpu.memory_space<vmem>>, vector<16xf32>,
    %add3A_277 = arith.constant 1 : i32
    %add3A_278 = vector.broadcast %add3A_277 : i32 to vector<16xi32>
    %add3A_279 = arith.addi %mul3A_254, %add3A_278 : vector<16xi32>
    %gather3A_280 = arith.constant 0 : i32
    %gather3A_281 = arith.constant 0 : i32
    %gather3A_282 = tpu.memref_slice %arg5[%gather3A_280, %gather3A_281] : memref<2x320xi32, #tpu.memory_space<vmem>> -> memref<1x320xi32, #tpu.memory_space<vmem>>
    %gather3A_283 = tpu.memref_squeeze %gather3A_282 : memref<1x320xi32, #tpu.memory_space<vmem>> -> memref<320xi32, #tpu.memory_space<vmem>>
    %gather3A_284 = tpu.vector_load_idx %gather3A_283[%add3A_279] : memref<320xi32, #tpu.memory_space<vmem>>[vector<16xi32>], vector<16xi32>,
    %sub3A_285 = vector.broadcast %mul3A_3 : i32 to vector<16xi32>
    %sub3A_286 = arith.subi %gather3A_284, %sub3A_285 : vector<16xi32>
    %ge3A_287 = arith.constant 0 : i32
    %ge3A_288 = vector.broadcast %ge3A_287 : i32 to vector<16xi32>
    %ge3A_289 = arith.cmpi sge, %sub3A_286, %ge3A_288 : vector<16xi32>
    %lt3A_290 = arith.constant 5000 : i32
    %lt3A_291 = vector.broadcast %lt3A_290 : i32 to vector<16xi32>
    %lt3A_292 = arith.cmpi slt, %sub3A_286, %lt3A_291 : vector<16xi32>
    %and3A_293 = arith.andi %ge3A_289, %lt3A_292 : vector<16xi1>
    %jit3A_294 = arith.constant 5000 : i32
    %broadcast_in_dim3A_295 = vector.broadcast %jit3A_294 : i32 to vector<16xi32>
    %select_n3A_296 = arith.select %and3A_293, %sub3A_286, %broadcast_in_dim3A_295 : vector<16xi1>, vector<16xi32>
    %swap3A_297 = arith.constant 0 : i32
    %swap3A_298 = arith.index_cast %swap3A_297 : i32 to index
    %swap3A_299 = arith.constant 64 : index
    %swap3A_300 = tpu.vector_load %arg8[%swap3A_298, %swap3A_299] {strides = array<i32>} : memref<2x80xi32, #tpu.memory_space<vmem>>, vector<16xi32>,
    tpu.vector_store %arg8[%swap3A_298, %swap3A_299], %select_n3A_296 {strides = array<i32>} : memref<2x80xi32, #tpu.memory_space<vmem>>, vector<16xi32>,
    %dma_start3A_301 = arith.constant 0 : i32
    %dma_start3A_302 = arith.constant 0 : i32
    %dma_start3A_303 = arith.constant 0 : i32
    %dma_start3A_304 = arith.constant 0 : i32
    %dma_start3A_305 = arith.constant 0 : i32
    %dma_start3A_306 = tpu.memref_slice %arg9[%dma_start3A_302, %dma_start3A_304, %dma_start3A_305] : memref<2x80x272xf32, #tpu.memory_space<vmem>> -> memref<1x80x272xf32, #tpu.memory_space<vmem>>
    %dma_start3A_307 = tpu.memref_squeeze %dma_start3A_306 : memref<1x80x272xf32, #tpu.memory_space<vmem>> -> memref<80x272xf32, #tpu.memory_space<vmem>>
    %dma_start3A_308 = arith.constant 0 : i32
    %dma_start3A_309 = tpu.memref_slice %arg6[%dma_start3A_301, %dma_start3A_308] : memref<2x80xi32, #tpu.memory_space<vmem>> -> memref<1x80xi32, #tpu.memory_space<vmem>>
    %dma_start3A_310 = tpu.memref_squeeze %dma_start3A_309 : memref<1x80xi32, #tpu.memory_space<vmem>> -> memref<80xi32, #tpu.memory_space<vmem>>
    %dma_start3A_311 = arith.constant 0 : i32
    %dma_start3A_312 = arith.constant 0 : i32
    %dma_start3A_313 = tpu.memref_slice %arg3[%dma_start3A_311, %dma_start3A_312] : memref<10240x272xf32, #tpu.memory_space<hbm>> -> memref<10240x272xf32, #tpu.memory_space<hbm>>
    %dma_start3A_314 = tpu.memref_slice %arg11[%dma_start3A_303] : memref<2x!tpu.dma_semaphore, #tpu.memory_space<semaphore_mem>> -> memref<1x!tpu.dma_semaphore, #tpu.memory_space<semaphore_mem>>
    %dma_start3A_315 = tpu.memref_squeeze %dma_start3A_314 : memref<1x!tpu.dma_semaphore, #tpu.memory_space<semaphore_mem>> -> memref<!tpu.dma_semaphore, #tpu.memory_space<semaphore_mem>>
    tpu.enqueue_indirect_dma source(%dma_start3A_313 : memref<10240x272xf32, #tpu.memory_space<hbm>>) target(%dma_start3A_307 : memref<80x272xf32, #tpu.memory_space<vmem>>) offsets(%dma_start3A_310 : memref<80xi32, #tpu.memory_space<vmem>>) semaphore(%dma_start3A_315 : memref<!tpu.dma_semaphore, #tpu.memory_space<semaphore_mem>>)
    %add3A_316 = arith.constant 80 : i32
    %add3A_317 = arith.addi %mul3A_1, %add3A_316 : i32
    %mul3A_318 = arith.constant 4 : i32
    %mul3A_319 = arith.muli %add3A_317, %mul3A_318 : i32
    %dma_start3A_320 = arith.constant 1 : i32
    %dma_start3A_321 = arith.constant 1 : i32
    %dma_start3A_322 = arith.constant 0 : i32
    %dma_start3A_323 = tpu.memref_slice %arg5[%dma_start3A_320, %dma_start3A_322] : memref<2x320xi32, #tpu.memory_space<vmem>> -> memref<1x320xi32, #tpu.memory_space<vmem>>
    %dma_start3A_324 = tpu.memref_squeeze %dma_start3A_323 : memref<1x320xi32, #tpu.memory_space<vmem>> -> memref<320xi32, #tpu.memory_space<vmem>>
    %dma_start3A_325 = tpu.memref_slice %arg2[%mul3A_319] : memref<641024xi32, #tpu.memory_space<hbm>> -> memref<320xi32, #tpu.memory_space<hbm>>
    %dma_start3A_326 = tpu.memref_slice %arg10[%dma_start3A_321] : memref<2x!tpu.dma_semaphore, #tpu.memory_space<semaphore_mem>> -> memref<1x!tpu.dma_semaphore, #tpu.memory_space<semaphore_mem>>
    %dma_start3A_327 = tpu.memref_squeeze %dma_start3A_326 : memref<1x!tpu.dma_semaphore, #tpu.memory_space<semaphore_mem>> -> memref<!tpu.dma_semaphore, #tpu.memory_space<semaphore_mem>>
    %dma_start3A_328 = arith.constant 0 : i32
    %dma_start3A_329 = tpu.memref_slice %arg5[%dma_start3A_320, %dma_start3A_328] : memref<2x320xi32, #tpu.memory_space<vmem>> -> memref<1x320xi32, #tpu.memory_space<vmem>>
    %dma_start3A_330 = tpu.memref_squeeze %dma_start3A_329 : memref<1x320xi32, #tpu.memory_space<vmem>> -> memref<320xi32, #tpu.memory_space<vmem>>
    %dma_start3A_331 = tpu.memref_slice %arg2[%mul3A_319] : memref<641024xi32, #tpu.memory_space<hbm>> -> memref<320xi32, #tpu.memory_space<hbm>>
    tpu.enqueue_dma source(%dma_start3A_331 : memref<320xi32, #tpu.memory_space<hbm>>) target(%dma_start3A_330 : memref<320xi32, #tpu.memory_space<vmem>>) target_semaphore(%dma_start3A_327 : memref<!tpu.dma_semaphore, #tpu.memory_space<semaphore_mem>>)
    %scan3A_332 = arith.constant 0 : i32
    %scan3A_333 = arith.constant 0 : i32
    %scan3A_334 = arith.constant 125 : i32
    %scan3A_335 = arith.addi %scan3A_333, %scan3A_334 : i32
    %scan3A_336 = arith.constant 1 : i32
    %scan3A_337 = scf.for %scan3A_392 = %scan3A_333 to %scan3A_335 step %scan3A_336 iter_args(%scan3A_393 = %scan3A_332) -> (i32)  : i32 {
      %rem3A = arith.constant 2 : i32
      %rem3A_394 = arith.remsi %scan3A_392, %rem3A : i32
      %sub3A_395 = arith.constant 1 : i32
      %sub3A_396 = arith.subi %sub3A_395, %rem3A_394 : i32
      %add3A_397 = arith.constant 1 : i32
      %add3A_398 = arith.addi %scan3A_392, %add3A_397 : i32
      %lt3A_399 = arith.constant 125 : i32
      %lt3A_400 = arith.cmpi slt, %add3A_398, %lt3A_399 : i32
      %convert_element_type3A = arith.extui %lt3A_400 : i1 to i32
      %cond3A = arith.constant 0 : i32
      %cond3A_401 = arith.cmpi ne, %convert_element_type3A, %cond3A : i32
      scf.if %cond3A_401 {
        %mul3A_434 = arith.constant 4 : i32
        %mul3A_435 = arith.muli %mul3A_1, %mul3A_434 : i32
        %dma_wait3A_436 = arith.constant 0 : i32
        %dma_wait3A_437 = tpu.memref_slice %arg5[%sub3A_396, %dma_wait3A_436] : memref<2x320xi32, #tpu.memory_space<vmem>> -> memref<1x320xi32, #tpu.memory_space<vmem>>
        %dma_wait3A_438 = tpu.memref_squeeze %dma_wait3A_437 : memref<1x320xi32, #tpu.memory_space<vmem>> -> memref<320xi32, #tpu.memory_space<vmem>>
        %dma_wait3A_439 = tpu.memref_slice %arg2[%mul3A_435] : memref<641024xi32, #tpu.memory_space<hbm>> -> memref<320xi32, #tpu.memory_space<hbm>>
        %dma_wait3A_440 = tpu.memref_slice %arg10[%sub3A_396] : memref<2x!tpu.dma_semaphore, #tpu.memory_space<semaphore_mem>> -> memref<1x!tpu.dma_semaphore, #tpu.memory_space<semaphore_mem>>
        %dma_wait3A_441 = tpu.memref_squeeze %dma_wait3A_440 : memref<1x!tpu.dma_semaphore, #tpu.memory_space<semaphore_mem>> -> memref<!tpu.dma_semaphore, #tpu.memory_space<semaphore_mem>>
        %dma_wait3A_442 = arith.constant 0 : i32
        %dma_wait3A_443 = tpu.memref_slice %arg5[%sub3A_396, %dma_wait3A_442] : memref<2x320xi32, #tpu.memory_space<vmem>> -> memref<1x320xi32, #tpu.memory_space<vmem>>
        %dma_wait3A_444 = tpu.memref_squeeze %dma_wait3A_443 : memref<1x320xi32, #tpu.memory_space<vmem>> -> memref<320xi32, #tpu.memory_space<vmem>>
        %dma_wait3A_445 = tpu.memref_slice %arg2[%mul3A_435] : memref<641024xi32, #tpu.memory_space<hbm>> -> memref<320xi32, #tpu.memory_space<hbm>>
        tpu.wait_dma2 semaphore(%dma_wait3A_441 : memref<!tpu.dma_semaphore, #tpu.memory_space<semaphore_mem>>) src(%dma_wait3A_445 : memref<320xi32, #tpu.memory_space<hbm>>) dst(%dma_wait3A_444 : memref<320xi32, #tpu.memory_space<vmem>>)
        %ge3A_446 = arith.constant 1 : i32
        %ge3A_447 = arith.cmpi sge, %scan3A_392, %ge3A_446 : i32
        %convert_element_type3A_448 = arith.extui %ge3A_447 : i1 to i32
        %cond3A_449 = arith.constant 0 : i32
        %cond3A_450 = arith.cmpi ne, %convert_element_type3A_448, %cond3A_449 : i32
        scf.if %cond3A_450 {
          %dma_wait3A_700 = arith.constant 0 : i32
          %dma_wait3A_701 = arith.constant 0 : i32
          %dma_wait3A_702 = tpu.memref_slice %arg9[%sub3A_396, %dma_wait3A_700, %dma_wait3A_701] : memref<2x80x272xf32, #tpu.memory_space<vmem>> -> memref<1x80x272xf32, #tpu.memory_space<vmem>>
          %dma_wait3A_703 = tpu.memref_squeeze %dma_wait3A_702 : memref<1x80x272xf32, #tpu.memory_space<vmem>> -> memref<80x272xf32, #tpu.memory_space<vmem>>
          %dma_wait3A_704 = arith.constant 0 : i32
          %dma_wait3A_705 = arith.constant 0 : i32
          %dma_wait3A_706 = tpu.memref_slice %arg3[%dma_wait3A_704, %dma_wait3A_705] : memref<10240x272xf32, #tpu.memory_space<hbm>> -> memref<80x272xf32, #tpu.memory_space<hbm>>
          %dma_wait3A_707 = tpu.memref_slice %arg12[%sub3A_396] : memref<2x!tpu.dma_semaphore, #tpu.memory_space<semaphore_mem>> -> memref<1x!tpu.dma_semaphore, #tpu.memory_space<semaphore_mem>>
          %dma_wait3A_708 = tpu.memref_squeeze %dma_wait3A_707 : memref<1x!tpu.dma_semaphore, #tpu.memory_space<semaphore_mem>> -> memref<!tpu.dma_semaphore, #tpu.memory_space<semaphore_mem>>
          %dma_wait3A_709 = arith.constant 0 : i32
          %dma_wait3A_710 = arith.constant 0 : i32
          %dma_wait3A_711 = tpu.memref_slice %arg9[%sub3A_396, %dma_wait3A_709, %dma_wait3A_710] : memref<2x80x272xf32, #tpu.memory_space<vmem>> -> memref<1x80x272xf32, #tpu.memory_space<vmem>>
          %dma_wait3A_712 = tpu.memref_squeeze %dma_wait3A_711 : memref<1x80x272xf32, #tpu.memory_space<vmem>> -> memref<80x272xf32, #tpu.memory_space<vmem>>
          %dma_wait3A_713 = arith.constant 0 : i32
          %dma_wait3A_714 = arith.constant 0 : i32
          %dma_wait3A_715 = tpu.memref_slice %arg3[%dma_wait3A_713, %dma_wait3A_714] : memref<10240x272xf32, #tpu.memory_space<hbm>> -> memref<80x272xf32, #tpu.memory_space<hbm>>
          tpu.wait_dma2 semaphore(%dma_wait3A_708 : memref<!tpu.dma_semaphore, #tpu.memory_space<semaphore_mem>>) src(%dma_wait3A_715 : memref<80x272xf32, #tpu.memory_space<hbm>>) dst(%dma_wait3A_712 : memref<80x272xf32, #tpu.memory_space<vmem>>)
        } else {
        }
        %add3A_451 = arith.constant 0 : i32
        %add3A_452 = vector.broadcast %add3A_451 : i32 to vector<16xi32>
        %add3A_453 = arith.addi %add3A_452, %iota3A : vector<16xi32>
        %mul3A_454 = arith.constant 4 : i32
        %mul3A_455 = vector.broadcast %mul3A_454 : i32 to vector<16xi32>
        %mul3A_456 = arith.muli %add3A_453, %mul3A_455 : vector<16xi32>
        %gather3A_457 = arith.constant 0 : i32
        %gather3A_458 = tpu.memref_slice %arg5[%sub3A_396, %gather3A_457] : memref<2x320xi32, #tpu.memory_space<vmem>> -> memref<1x320xi32, #tpu.memory_space<vmem>>
        %gather3A_459 = tpu.memref_squeeze %gather3A_458 : memref<1x320xi32, #tpu.memory_space<vmem>> -> memref<320xi32, #tpu.memory_space<vmem>>
        %gather3A_460 = tpu.vector_load_idx %gather3A_459[%mul3A_456] : memref<320xi32, #tpu.memory_space<vmem>>[vector<16xi32>], vector<16xi32>,
        %swap3A_461 = arith.index_cast %sub3A_396 : i32 to index
        %swap3A_462 = arith.constant 0 : index
        %swap3A_463 = tpu.vector_load %arg6[%swap3A_461, %swap3A_462] {strides = array<i32>} : memref<2x80xi32, #tpu.memory_space<vmem>>, vector<16xi32>,
        tpu.vector_store %arg6[%swap3A_461, %swap3A_462], %gather3A_460 {strides = array<i32>} : memref<2x80xi32, #tpu.memory_space<vmem>>, vector<16xi32>,
        %add3A_464 = arith.constant 2 : i32
        %add3A_465 = vector.broadcast %add3A_464 : i32 to vector<16xi32>
        %add3A_466 = arith.addi %mul3A_456, %add3A_465 : vector<16xi32>
        %gather3A_467 = arith.constant 0 : i32
        %gather3A_468 = tpu.memref_slice %arg5[%sub3A_396, %gather3A_467] : memref<2x320xi32, #tpu.memory_space<vmem>> -> memref<1x320xi32, #tpu.memory_space<vmem>>
        %gather3A_469 = tpu.memref_squeeze %gather3A_468 : memref<1x320xi32, #tpu.memory_space<vmem>> -> memref<320xi32, #tpu.memory_space<vmem>>
        %gather3A_470 = tpu.vector_load_idx %gather3A_469[%add3A_466] : memref<320xi32, #tpu.memory_space<vmem>>[vector<16xi32>], vector<16xi32>,
        %bitcast3A_471 = vector.bitcast %gather3A_470 : vector<16xi32> to vector<16xf32>
        %swap3A_472 = arith.index_cast %sub3A_396 : i32 to index
        %swap3A_473 = arith.constant 0 : index
        %swap3A_474 = tpu.vector_load %arg7[%swap3A_472, %swap3A_473] {strides = array<i32>} : memref<2x80xf32, #tpu.memory_space<vmem>>, vector<16xf32>,
        tpu.vector_store %arg7[%swap3A_472, %swap3A_473], %bitcast3A_471 {strides = array<i32>} : memref<2x80xf32, #tpu.memory_space<vmem>>, vector<16xf32>,
        %add3A_475 = arith.constant 1 : i32
        %add3A_476 = vector.broadcast %add3A_475 : i32 to vector<16xi32>
        %add3A_477 = arith.addi %mul3A_456, %add3A_476 : vector<16xi32>
        %gather3A_478 = arith.constant 0 : i32
        %gather3A_479 = tpu.memref_slice %arg5[%sub3A_396, %gather3A_478] : memref<2x320xi32, #tpu.memory_space<vmem>> -> memref<1x320xi32, #tpu.memory_space<vmem>>
        %gather3A_480 = tpu.memref_squeeze %gather3A_479 : memref<1x320xi32, #tpu.memory_space<vmem>> -> memref<320xi32, #tpu.memory_space<vmem>>
        %gather3A_481 = tpu.vector_load_idx %gather3A_480[%add3A_477] : memref<320xi32, #tpu.memory_space<vmem>>[vector<16xi32>], vector<16xi32>,
        %sub3A_482 = vector.broadcast %mul3A_3 : i32 to vector<16xi32>
        %sub3A_483 = arith.subi %gather3A_481, %sub3A_482 : vector<16xi32>
        %ge3A_484 = arith.constant 0 : i32
        %ge3A_485 = vector.broadcast %ge3A_484 : i32 to vector<16xi32>
        %ge3A_486 = arith.cmpi sge, %sub3A_483, %ge3A_485 : vector<16xi32>
        %lt3A_487 = arith.constant 5000 : i32
        %lt3A_488 = vector.broadcast %lt3A_487 : i32 to vector<16xi32>
        %lt3A_489 = arith.cmpi slt, %sub3A_483, %lt3A_488 : vector<16xi32>
        %and3A_490 = arith.andi %ge3A_486, %lt3A_489 : vector<16xi1>
        %jit3A_491 = arith.constant 5000 : i32
        %broadcast_in_dim3A_492 = vector.broadcast %jit3A_491 : i32 to vector<16xi32>
        %select_n3A_493 = arith.select %and3A_490, %sub3A_483, %broadcast_in_dim3A_492 : vector<16xi1>, vector<16xi32>
        %swap3A_494 = arith.index_cast %sub3A_396 : i32 to index
        %swap3A_495 = arith.constant 0 : index
        %swap3A_496 = tpu.vector_load %arg8[%swap3A_494, %swap3A_495] {strides = array<i32>} : memref<2x80xi32, #tpu.memory_space<vmem>>, vector<16xi32>,
        tpu.vector_store %arg8[%swap3A_494, %swap3A_495], %select_n3A_493 {strides = array<i32>} : memref<2x80xi32, #tpu.memory_space<vmem>>, vector<16xi32>,
        %add3A_497 = arith.constant 16 : i32
        %add3A_498 = vector.broadcast %add3A_497 : i32 to vector<16xi32>
        %add3A_499 = arith.addi %add3A_498, %iota3A : vector<16xi32>
        %mul3A_500 = arith.constant 4 : i32
        %mul3A_501 = vector.broadcast %mul3A_500 : i32 to vector<16xi32>
        %mul3A_502 = arith.muli %add3A_499, %mul3A_501 : vector<16xi32>
        %gather3A_503 = arith.constant 0 : i32
        %gather3A_504 = tpu.memref_slice %arg5[%sub3A_396, %gather3A_503] : memref<2x320xi32, #tpu.memory_space<vmem>> -> memref<1x320xi32, #tpu.memory_space<vmem>>
        %gather3A_505 = tpu.memref_squeeze %gather3A_504 : memref<1x320xi32, #tpu.memory_space<vmem>> -> memref<320xi32, #tpu.memory_space<vmem>>
        %gather3A_506 = tpu.vector_load_idx %gather3A_505[%mul3A_502] : memref<320xi32, #tpu.memory_space<vmem>>[vector<16xi32>], vector<16xi32>,
        %swap3A_507 = arith.index_cast %sub3A_396 : i32 to index
        %swap3A_508 = arith.constant 16 : index
        %swap3A_509 = tpu.vector_load %arg6[%swap3A_507, %swap3A_508] {strides = array<i32>} : memref<2x80xi32, #tpu.memory_space<vmem>>, vector<16xi32>,
        tpu.vector_store %arg6[%swap3A_507, %swap3A_508], %gather3A_506 {strides = array<i32>} : memref<2x80xi32, #tpu.memory_space<vmem>>, vector<16xi32>,
        %add3A_510 = arith.constant 2 : i32
        %add3A_511 = vector.broadcast %add3A_510 : i32 to vector<16xi32>
        %add3A_512 = arith.addi %mul3A_502, %add3A_511 : vector<16xi32>
        %gather3A_513 = arith.constant 0 : i32
        %gather3A_514 = tpu.memref_slice %arg5[%sub3A_396, %gather3A_513] : memref<2x320xi32, #tpu.memory_space<vmem>> -> memref<1x320xi32, #tpu.memory_space<vmem>>
        %gather3A_515 = tpu.memref_squeeze %gather3A_514 : memref<1x320xi32, #tpu.memory_space<vmem>> -> memref<320xi32, #tpu.memory_space<vmem>>
        %gather3A_516 = tpu.vector_load_idx %gather3A_515[%add3A_512] : memref<320xi32, #tpu.memory_space<vmem>>[vector<16xi32>], vector<16xi32>,
        %bitcast3A_517 = vector.bitcast %gather3A_516 : vector<16xi32> to vector<16xf32>
        %swap3A_518 = arith.index_cast %sub3A_396 : i32 to index
        %swap3A_519 = arith.constant 16 : index
        %swap3A_520 = tpu.vector_load %arg7[%swap3A_518, %swap3A_519] {strides = array<i32>} : memref<2x80xf32, #tpu.memory_space<vmem>>, vector<16xf32>,
        tpu.vector_store %arg7[%swap3A_518, %swap3A_519], %bitcast3A_517 {strides = array<i32>} : memref<2x80xf32, #tpu.memory_space<vmem>>, vector<16xf32>,
        %add3A_521 = arith.constant 1 : i32
        %add3A_522 = vector.broadcast %add3A_521 : i32 to vector<16xi32>
        %add3A_523 = arith.addi %mul3A_502, %add3A_522 : vector<16xi32>
        %gather3A_524 = arith.constant 0 : i32
        %gather3A_525 = tpu.memref_slice %arg5[%sub3A_396, %gather3A_524] : memref<2x320xi32, #tpu.memory_space<vmem>> -> memref<1x320xi32, #tpu.memory_space<vmem>>
        %gather3A_526 = tpu.memref_squeeze %gather3A_525 : memref<1x320xi32, #tpu.memory_space<vmem>> -> memref<320xi32, #tpu.memory_space<vmem>>
        %gather3A_527 = tpu.vector_load_idx %gather3A_526[%add3A_523] : memref<320xi32, #tpu.memory_space<vmem>>[vector<16xi32>], vector<16xi32>,
        %sub3A_528 = vector.broadcast %mul3A_3 : i32 to vector<16xi32>
        %sub3A_529 = arith.subi %gather3A_527, %sub3A_528 : vector<16xi32>
        %ge3A_530 = arith.constant 0 : i32
        %ge3A_531 = vector.broadcast %ge3A_530 : i32 to vector<16xi32>
        %ge3A_532 = arith.cmpi sge, %sub3A_529, %ge3A_531 : vector<16xi32>
        %lt3A_533 = arith.constant 5000 : i32
        %lt3A_534 = vector.broadcast %lt3A_533 : i32 to vector<16xi32>
        %lt3A_535 = arith.cmpi slt, %sub3A_529, %lt3A_534 : vector<16xi32>
        %and3A_536 = arith.andi %ge3A_532, %lt3A_535 : vector<16xi1>
        %jit3A_537 = arith.constant 5000 : i32
        %broadcast_in_dim3A_538 = vector.broadcast %jit3A_537 : i32 to vector<16xi32>
        %select_n3A_539 = arith.select %and3A_536, %sub3A_529, %broadcast_in_dim3A_538 : vector<16xi1>, vector<16xi32>
        %swap3A_540 = arith.index_cast %sub3A_396 : i32 to index
        %swap3A_541 = arith.constant 16 : index
        %swap3A_542 = tpu.vector_load %arg8[%swap3A_540, %swap3A_541] {strides = array<i32>} : memref<2x80xi32, #tpu.memory_space<vmem>>, vector<16xi32>,
        tpu.vector_store %arg8[%swap3A_540, %swap3A_541], %select_n3A_539 {strides = array<i32>} : memref<2x80xi32, #tpu.memory_space<vmem>>, vector<16xi32>,
        %add3A_543 = arith.constant 32 : i32
        %add3A_544 = vector.broadcast %add3A_543 : i32 to vector<16xi32>
        %add3A_545 = arith.addi %add3A_544, %iota3A : vector<16xi32>
        %mul3A_546 = arith.constant 4 : i32
        %mul3A_547 = vector.broadcast %mul3A_546 : i32 to vector<16xi32>
        %mul3A_548 = arith.muli %add3A_545, %mul3A_547 : vector<16xi32>
        %gather3A_549 = arith.constant 0 : i32
        %gather3A_550 = tpu.memref_slice %arg5[%sub3A_396, %gather3A_549] : memref<2x320xi32, #tpu.memory_space<vmem>> -> memref<1x320xi32, #tpu.memory_space<vmem>>
        %gather3A_551 = tpu.memref_squeeze %gather3A_550 : memref<1x320xi32, #tpu.memory_space<vmem>> -> memref<320xi32, #tpu.memory_space<vmem>>
        %gather3A_552 = tpu.vector_load_idx %gather3A_551[%mul3A_548] : memref<320xi32, #tpu.memory_space<vmem>>[vector<16xi32>], vector<16xi32>,
        %swap3A_553 = arith.index_cast %sub3A_396 : i32 to index
        %swap3A_554 = arith.constant 32 : index
        %swap3A_555 = tpu.vector_load %arg6[%swap3A_553, %swap3A_554] {strides = array<i32>} : memref<2x80xi32, #tpu.memory_space<vmem>>, vector<16xi32>,
        tpu.vector_store %arg6[%swap3A_553, %swap3A_554], %gather3A_552 {strides = array<i32>} : memref<2x80xi32, #tpu.memory_space<vmem>>, vector<16xi32>,
        %add3A_556 = arith.constant 2 : i32
        %add3A_557 = vector.broadcast %add3A_556 : i32 to vector<16xi32>
        %add3A_558 = arith.addi %mul3A_548, %add3A_557 : vector<16xi32>
        %gather3A_559 = arith.constant 0 : i32
        %gather3A_560 = tpu.memref_slice %arg5[%sub3A_396, %gather3A_559] : memref<2x320xi32, #tpu.memory_space<vmem>> -> memref<1x320xi32, #tpu.memory_space<vmem>>
        %gather3A_561 = tpu.memref_squeeze %gather3A_560 : memref<1x320xi32, #tpu.memory_space<vmem>> -> memref<320xi32, #tpu.memory_space<vmem>>
        %gather3A_562 = tpu.vector_load_idx %gather3A_561[%add3A_558] : memref<320xi32, #tpu.memory_space<vmem>>[vector<16xi32>], vector<16xi32>,
        %bitcast3A_563 = vector.bitcast %gather3A_562 : vector<16xi32> to vector<16xf32>
        %swap3A_564 = arith.index_cast %sub3A_396 : i32 to index
        %swap3A_565 = arith.constant 32 : index
        %swap3A_566 = tpu.vector_load %arg7[%swap3A_564, %swap3A_565] {strides = array<i32>} : memref<2x80xf32, #tpu.memory_space<vmem>>, vector<16xf32>,
        tpu.vector_store %arg7[%swap3A_564, %swap3A_565], %bitcast3A_563 {strides = array<i32>} : memref<2x80xf32, #tpu.memory_space<vmem>>, vector<16xf32>,
        %add3A_567 = arith.constant 1 : i32
        %add3A_568 = vector.broadcast %add3A_567 : i32 to vector<16xi32>
        %add3A_569 = arith.addi %mul3A_548, %add3A_568 : vector<16xi32>
        %gather3A_570 = arith.constant 0 : i32
        %gather3A_571 = tpu.memref_slice %arg5[%sub3A_396, %gather3A_570] : memref<2x320xi32, #tpu.memory_space<vmem>> -> memref<1x320xi32, #tpu.memory_space<vmem>>
        %gather3A_572 = tpu.memref_squeeze %gather3A_571 : memref<1x320xi32, #tpu.memory_space<vmem>> -> memref<320xi32, #tpu.memory_space<vmem>>
        %gather3A_573 = tpu.vector_load_idx %gather3A_572[%add3A_569] : memref<320xi32, #tpu.memory_space<vmem>>[vector<16xi32>], vector<16xi32>,
        %sub3A_574 = vector.broadcast %mul3A_3 : i32 to vector<16xi32>
        %sub3A_575 = arith.subi %gather3A_573, %sub3A_574 : vector<16xi32>
        %ge3A_576 = arith.constant 0 : i32
        %ge3A_577 = vector.broadcast %ge3A_576 : i32 to vector<16xi32>
        %ge3A_578 = arith.cmpi sge, %sub3A_575, %ge3A_577 : vector<16xi32>
        %lt3A_579 = arith.constant 5000 : i32
        %lt3A_580 = vector.broadcast %lt3A_579 : i32 to vector<16xi32>
        %lt3A_581 = arith.cmpi slt, %sub3A_575, %lt3A_580 : vector<16xi32>
        %and3A_582 = arith.andi %ge3A_578, %lt3A_581 : vector<16xi1>
        %jit3A_583 = arith.constant 5000 : i32
        %broadcast_in_dim3A_584 = vector.broadcast %jit3A_583 : i32 to vector<16xi32>
        %select_n3A_585 = arith.select %and3A_582, %sub3A_575, %broadcast_in_dim3A_584 : vector<16xi1>, vector<16xi32>
        %swap3A_586 = arith.index_cast %sub3A_396 : i32 to index
        %swap3A_587 = arith.constant 32 : index
        %swap3A_588 = tpu.vector_load %arg8[%swap3A_586, %swap3A_587] {strides = array<i32>} : memref<2x80xi32, #tpu.memory_space<vmem>>, vector<16xi32>,
        tpu.vector_store %arg8[%swap3A_586, %swap3A_587], %select_n3A_585 {strides = array<i32>} : memref<2x80xi32, #tpu.memory_space<vmem>>, vector<16xi32>,
        %add3A_589 = arith.constant 48 : i32
        %add3A_590 = vector.broadcast %add3A_589 : i32 to vector<16xi32>
        %add3A_591 = arith.addi %add3A_590, %iota3A : vector<16xi32>
        %mul3A_592 = arith.constant 4 : i32
        %mul3A_593 = vector.broadcast %mul3A_592 : i32 to vector<16xi32>
        %mul3A_594 = arith.muli %add3A_591, %mul3A_593 : vector<16xi32>
        %gather3A_595 = arith.constant 0 : i32
        %gather3A_596 = tpu.memref_slice %arg5[%sub3A_396, %gather3A_595] : memref<2x320xi32, #tpu.memory_space<vmem>> -> memref<1x320xi32, #tpu.memory_space<vmem>>
        %gather3A_597 = tpu.memref_squeeze %gather3A_596 : memref<1x320xi32, #tpu.memory_space<vmem>> -> memref<320xi32, #tpu.memory_space<vmem>>
        %gather3A_598 = tpu.vector_load_idx %gather3A_597[%mul3A_594] : memref<320xi32, #tpu.memory_space<vmem>>[vector<16xi32>], vector<16xi32>,
        %swap3A_599 = arith.index_cast %sub3A_396 : i32 to index
        %swap3A_600 = arith.constant 48 : index
        %swap3A_601 = tpu.vector_load %arg6[%swap3A_599, %swap3A_600] {strides = array<i32>} : memref<2x80xi32, #tpu.memory_space<vmem>>, vector<16xi32>,
        tpu.vector_store %arg6[%swap3A_599, %swap3A_600], %gather3A_598 {strides = array<i32>} : memref<2x80xi32, #tpu.memory_space<vmem>>, vector<16xi32>,
        %add3A_602 = arith.constant 2 : i32
        %add3A_603 = vector.broadcast %add3A_602 : i32 to vector<16xi32>
        %add3A_604 = arith.addi %mul3A_594, %add3A_603 : vector<16xi32>
        %gather3A_605 = arith.constant 0 : i32
        %gather3A_606 = tpu.memref_slice %arg5[%sub3A_396, %gather3A_605] : memref<2x320xi32, #tpu.memory_space<vmem>> -> memref<1x320xi32, #tpu.memory_space<vmem>>
        %gather3A_607 = tpu.memref_squeeze %gather3A_606 : memref<1x320xi32, #tpu.memory_space<vmem>> -> memref<320xi32, #tpu.memory_space<vmem>>
        %gather3A_608 = tpu.vector_load_idx %gather3A_607[%add3A_604] : memref<320xi32, #tpu.memory_space<vmem>>[vector<16xi32>], vector<16xi32>,
        %bitcast3A_609 = vector.bitcast %gather3A_608 : vector<16xi32> to vector<16xf32>
        %swap3A_610 = arith.index_cast %sub3A_396 : i32 to index
        %swap3A_611 = arith.constant 48 : index
        %swap3A_612 = tpu.vector_load %arg7[%swap3A_610, %swap3A_611] {strides = array<i32>} : memref<2x80xf32, #tpu.memory_space<vmem>>, vector<16xf32>,
        tpu.vector_store %arg7[%swap3A_610, %swap3A_611], %bitcast3A_609 {strides = array<i32>} : memref<2x80xf32, #tpu.memory_space<vmem>>, vector<16xf32>,
        %add3A_613 = arith.constant 1 : i32
        %add3A_614 = vector.broadcast %add3A_613 : i32 to vector<16xi32>
        %add3A_615 = arith.addi %mul3A_594, %add3A_614 : vector<16xi32>
        %gather3A_616 = arith.constant 0 : i32
        %gather3A_617 = tpu.memref_slice %arg5[%sub3A_396, %gather3A_616] : memref<2x320xi32, #tpu.memory_space<vmem>> -> memref<1x320xi32, #tpu.memory_space<vmem>>
        %gather3A_618 = tpu.memref_squeeze %gather3A_617 : memref<1x320xi32, #tpu.memory_space<vmem>> -> memref<320xi32, #tpu.memory_space<vmem>>
        %gather3A_619 = tpu.vector_load_idx %gather3A_618[%add3A_615] : memref<320xi32, #tpu.memory_space<vmem>>[vector<16xi32>], vector<16xi32>,
        %sub3A_620 = vector.broadcast %mul3A_3 : i32 to vector<16xi32>
        %sub3A_621 = arith.subi %gather3A_619, %sub3A_620 : vector<16xi32>
        %ge3A_622 = arith.constant 0 : i32
        %ge3A_623 = vector.broadcast %ge3A_622 : i32 to vector<16xi32>
        %ge3A_624 = arith.cmpi sge, %sub3A_621, %ge3A_623 : vector<16xi32>
        %lt3A_625 = arith.constant 5000 : i32
        %lt3A_626 = vector.broadcast %lt3A_625 : i32 to vector<16xi32>
        %lt3A_627 = arith.cmpi slt, %sub3A_621, %lt3A_626 : vector<16xi32>
        %and3A_628 = arith.andi %ge3A_624, %lt3A_627 : vector<16xi1>
        %jit3A_629 = arith.constant 5000 : i32
        %broadcast_in_dim3A_630 = vector.broadcast %jit3A_629 : i32 to vector<16xi32>
        %select_n3A_631 = arith.select %and3A_628, %sub3A_621, %broadcast_in_dim3A_630 : vector<16xi1>, vector<16xi32>
        %swap3A_632 = arith.index_cast %sub3A_396 : i32 to index
        %swap3A_633 = arith.constant 48 : index
        %swap3A_634 = tpu.vector_load %arg8[%swap3A_632, %swap3A_633] {strides = array<i32>} : memref<2x80xi32, #tpu.memory_space<vmem>>, vector<16xi32>,
        tpu.vector_store %arg8[%swap3A_632, %swap3A_633], %select_n3A_631 {strides = array<i32>} : memref<2x80xi32, #tpu.memory_space<vmem>>, vector<16xi32>,
        %add3A_635 = arith.constant 64 : i32
        %add3A_636 = vector.broadcast %add3A_635 : i32 to vector<16xi32>
        %add3A_637 = arith.addi %add3A_636, %iota3A : vector<16xi32>
        %mul3A_638 = arith.constant 4 : i32
        %mul3A_639 = vector.broadcast %mul3A_638 : i32 to vector<16xi32>
        %mul3A_640 = arith.muli %add3A_637, %mul3A_639 : vector<16xi32>
        %gather3A_641 = arith.constant 0 : i32
        %gather3A_642 = tpu.memref_slice %arg5[%sub3A_396, %gather3A_641] : memref<2x320xi32, #tpu.memory_space<vmem>> -> memref<1x320xi32, #tpu.memory_space<vmem>>
        %gather3A_643 = tpu.memref_squeeze %gather3A_642 : memref<1x320xi32, #tpu.memory_space<vmem>> -> memref<320xi32, #tpu.memory_space<vmem>>
        %gather3A_644 = tpu.vector_load_idx %gather3A_643[%mul3A_640] : memref<320xi32, #tpu.memory_space<vmem>>[vector<16xi32>], vector<16xi32>,
        %swap3A_645 = arith.index_cast %sub3A_396 : i32 to index
        %swap3A_646 = arith.constant 64 : index
        %swap3A_647 = tpu.vector_load %arg6[%swap3A_645, %swap3A_646] {strides = array<i32>} : memref<2x80xi32, #tpu.memory_space<vmem>>, vector<16xi32>,
        tpu.vector_store %arg6[%swap3A_645, %swap3A_646], %gather3A_644 {strides = array<i32>} : memref<2x80xi32, #tpu.memory_space<vmem>>, vector<16xi32>,
        %add3A_648 = arith.constant 2 : i32
        %add3A_649 = vector.broadcast %add3A_648 : i32 to vector<16xi32>
        %add3A_650 = arith.addi %mul3A_640, %add3A_649 : vector<16xi32>
        %gather3A_651 = arith.constant 0 : i32
        %gather3A_652 = tpu.memref_slice %arg5[%sub3A_396, %gather3A_651] : memref<2x320xi32, #tpu.memory_space<vmem>> -> memref<1x320xi32, #tpu.memory_space<vmem>>
        %gather3A_653 = tpu.memref_squeeze %gather3A_652 : memref<1x320xi32, #tpu.memory_space<vmem>> -> memref<320xi32, #tpu.memory_space<vmem>>
        %gather3A_654 = tpu.vector_load_idx %gather3A_653[%add3A_650] : memref<320xi32, #tpu.memory_space<vmem>>[vector<16xi32>], vector<16xi32>,
        %bitcast3A_655 = vector.bitcast %gather3A_654 : vector<16xi32> to vector<16xf32>
        %swap3A_656 = arith.index_cast %sub3A_396 : i32 to index
        %swap3A_657 = arith.constant 64 : index
        %swap3A_658 = tpu.vector_load %arg7[%swap3A_656, %swap3A_657] {strides = array<i32>} : memref<2x80xf32, #tpu.memory_space<vmem>>, vector<16xf32>,
        tpu.vector_store %arg7[%swap3A_656, %swap3A_657], %bitcast3A_655 {strides = array<i32>} : memref<2x80xf32, #tpu.memory_space<vmem>>, vector<16xf32>,
        %add3A_659 = arith.constant 1 : i32
        %add3A_660 = vector.broadcast %add3A_659 : i32 to vector<16xi32>
        %add3A_661 = arith.addi %mul3A_640, %add3A_660 : vector<16xi32>
        %gather3A_662 = arith.constant 0 : i32
        %gather3A_663 = tpu.memref_slice %arg5[%sub3A_396, %gather3A_662] : memref<2x320xi32, #tpu.memory_space<vmem>> -> memref<1x320xi32, #tpu.memory_space<vmem>>
        %gather3A_664 = tpu.memref_squeeze %gather3A_663 : memref<1x320xi32, #tpu.memory_space<vmem>> -> memref<320xi32, #tpu.memory_space<vmem>>
        %gather3A_665 = tpu.vector_load_idx %gather3A_664[%add3A_661] : memref<320xi32, #tpu.memory_space<vmem>>[vector<16xi32>], vector<16xi32>,
        %sub3A_666 = vector.broadcast %mul3A_3 : i32 to vector<16xi32>
        %sub3A_667 = arith.subi %gather3A_665, %sub3A_666 : vector<16xi32>
        %ge3A_668 = arith.constant 0 : i32
        %ge3A_669 = vector.broadcast %ge3A_668 : i32 to vector<16xi32>
        %ge3A_670 = arith.cmpi sge, %sub3A_667, %ge3A_669 : vector<16xi32>
        %lt3A_671 = arith.constant 5000 : i32
        %lt3A_672 = vector.broadcast %lt3A_671 : i32 to vector<16xi32>
        %lt3A_673 = arith.cmpi slt, %sub3A_667, %lt3A_672 : vector<16xi32>
        %and3A_674 = arith.andi %ge3A_670, %lt3A_673 : vector<16xi1>
        %jit3A_675 = arith.constant 5000 : i32
        %broadcast_in_dim3A_676 = vector.broadcast %jit3A_675 : i32 to vector<16xi32>
        %select_n3A_677 = arith.select %and3A_674, %sub3A_667, %broadcast_in_dim3A_676 : vector<16xi1>, vector<16xi32>
        %swap3A_678 = arith.index_cast %sub3A_396 : i32 to index
        %swap3A_679 = arith.constant 64 : index
        %swap3A_680 = tpu.vector_load %arg8[%swap3A_678, %swap3A_679] {strides = array<i32>} : memref<2x80xi32, #tpu.memory_space<vmem>>, vector<16xi32>,
        tpu.vector_store %arg8[%swap3A_678, %swap3A_679], %select_n3A_677 {strides = array<i32>} : memref<2x80xi32, #tpu.memory_space<vmem>>, vector<16xi32>,
        %dma_start3A_681 = arith.constant 0 : i32
        %dma_start3A_682 = arith.constant 0 : i32
        %dma_start3A_683 = tpu.memref_slice %arg9[%sub3A_396, %dma_start3A_681, %dma_start3A_682] : memref<2x80x272xf32, #tpu.memory_space<vmem>> -> memref<1x80x272xf32, #tpu.memory_space<vmem>>
        %dma_start3A_684 = tpu.memref_squeeze %dma_start3A_683 : memref<1x80x272xf32, #tpu.memory_space<vmem>> -> memref<80x272xf32, #tpu.memory_space<vmem>>
        %dma_start3A_685 = arith.constant 0 : i32
        %dma_start3A_686 = tpu.memref_slice %arg6[%sub3A_396, %dma_start3A_685] : memref<2x80xi32, #tpu.memory_space<vmem>> -> memref<1x80xi32, #tpu.memory_space<vmem>>
        %dma_start3A_687 = tpu.memref_squeeze %dma_start3A_686 : memref<1x80xi32, #tpu.memory_space<vmem>> -> memref<80xi32, #tpu.memory_space<vmem>>
        %dma_start3A_688 = arith.constant 0 : i32
        %dma_start3A_689 = arith.constant 0 : i32
        %dma_start3A_690 = tpu.memref_slice %arg3[%dma_start3A_688, %dma_start3A_689] : memref<10240x272xf32, #tpu.memory_space<hbm>> -> memref<10240x272xf32, #tpu.memory_space<hbm>>
        %dma_start3A_691 = tpu.memref_slice %arg11[%sub3A_396] : memref<2x!tpu.dma_semaphore, #tpu.memory_space<semaphore_mem>> -> memref<1x!tpu.dma_semaphore, #tpu.memory_space<semaphore_mem>>
        %dma_start3A_692 = tpu.memref_squeeze %dma_start3A_691 : memref<1x!tpu.dma_semaphore, #tpu.memory_space<semaphore_mem>> -> memref<!tpu.dma_semaphore, #tpu.memory_space<semaphore_mem>>
        tpu.enqueue_indirect_dma source(%dma_start3A_690 : memref<10240x272xf32, #tpu.memory_space<hbm>>) target(%dma_start3A_684 : memref<80x272xf32, #tpu.memory_space<vmem>>) offsets(%dma_start3A_687 : memref<80xi32, #tpu.memory_space<vmem>>) semaphore(%dma_start3A_692 : memref<!tpu.dma_semaphore, #tpu.memory_space<semaphore_mem>>)
        %add3A_693 = arith.constant 2 : i32
        %add3A_694 = arith.addi %scan3A_392, %add3A_693 : i32
        %lt3A_695 = arith.constant 125 : i32
        %lt3A_696 = arith.cmpi slt, %add3A_694, %lt3A_695 : i32
        %convert_element_type3A_697 = arith.extui %lt3A_696 : i1 to i32
        %cond3A_698 = arith.constant 0 : i32
        %cond3A_699 = arith.cmpi ne, %convert_element_type3A_697, %cond3A_698 : i32
        scf.if %cond3A_699 {
          %add3A_700 = arith.constant 2 : i32
          %add3A_701 = arith.addi %scan3A_392, %add3A_700 : i32
          %mul3A_702 = arith.constant 80 : i32
          %mul3A_703 = arith.muli %add3A_701, %mul3A_702 : i32
          %add3A_704 = arith.addi %mul3A_1, %mul3A_703 : i32
          %mul3A_705 = arith.constant 4 : i32
          %mul3A_706 = arith.muli %add3A_704, %mul3A_705 : i32
          %dma_start3A_707 = arith.constant 0 : i32
          %dma_start3A_708 = tpu.memref_slice %arg5[%rem3A_394, %dma_start3A_707] : memref<2x320xi32, #tpu.memory_space<vmem>> -> memref<1x320xi32, #tpu.memory_space<vmem>>
          %dma_start3A_709 = tpu.memref_squeeze %dma_start3A_708 : memref<1x320xi32, #tpu.memory_space<vmem>> -> memref<320xi32, #tpu.memory_space<vmem>>
          %dma_start3A_710 = tpu.memref_slice %arg2[%mul3A_706] : memref<641024xi32, #tpu.memory_space<hbm>> -> memref<320xi32, #tpu.memory_space<hbm>>
          %dma_start3A_711 = tpu.memref_slice %arg10[%rem3A_394] : memref<2x!tpu.dma_semaphore, #tpu.memory_space<semaphore_mem>> -> memref<1x!tpu.dma_semaphore, #tpu.memory_space<semaphore_mem>>
          %dma_start3A_712 = tpu.memref_squeeze %dma_start3A_711 : memref<1x!tpu.dma_semaphore, #tpu.memory_space<semaphore_mem>> -> memref<!tpu.dma_semaphore, #tpu.memory_space<semaphore_mem>>
          %dma_start3A_713 = arith.constant 0 : i32
          %dma_start3A_714 = tpu.memref_slice %arg5[%rem3A_394, %dma_start3A_713] : memref<2x320xi32, #tpu.memory_space<vmem>> -> memref<1x320xi32, #tpu.memory_space<vmem>>
          %dma_start3A_715 = tpu.memref_squeeze %dma_start3A_714 : memref<1x320xi32, #tpu.memory_space<vmem>> -> memref<320xi32, #tpu.memory_space<vmem>>
          %dma_start3A_716 = tpu.memref_slice %arg2[%mul3A_706] : memref<641024xi32, #tpu.memory_space<hbm>> -> memref<320xi32, #tpu.memory_space<hbm>>
          tpu.enqueue_dma source(%dma_start3A_716 : memref<320xi32, #tpu.memory_space<hbm>>) target(%dma_start3A_715 : memref<320xi32, #tpu.memory_space<vmem>>) target_semaphore(%dma_start3A_712 : memref<!tpu.dma_semaphore, #tpu.memory_space<semaphore_mem>>)
        } else {
        }
      } else {
      }
      %dma_wait3A_402 = arith.constant 0 : i32
      %dma_wait3A_403 = arith.constant 0 : i32
      %dma_wait3A_404 = tpu.memref_slice %arg9[%rem3A_394, %dma_wait3A_402, %dma_wait3A_403] : memref<2x80x272xf32, #tpu.memory_space<vmem>> -> memref<1x80x272xf32, #tpu.memory_space<vmem>>
      %dma_wait3A_405 = tpu.memref_squeeze %dma_wait3A_404 : memref<1x80x272xf32, #tpu.memory_space<vmem>> -> memref<80x272xf32, #tpu.memory_space<vmem>>
      %dma_wait3A_406 = arith.constant 0 : i32
      %dma_wait3A_407 = tpu.memref_slice %arg6[%rem3A_394, %dma_wait3A_406] : memref<2x80xi32, #tpu.memory_space<vmem>> -> memref<1x80xi32, #tpu.memory_space<vmem>>
      %dma_wait3A_408 = tpu.memref_squeeze %dma_wait3A_407 : memref<1x80xi32, #tpu.memory_space<vmem>> -> memref<80xi32, #tpu.memory_space<vmem>>
      %dma_wait3A_409 = arith.constant 0 : i32
      %dma_wait3A_410 = arith.constant 0 : i32
      %dma_wait3A_411 = tpu.memref_slice %arg3[%dma_wait3A_409, %dma_wait3A_410] : memref<10240x272xf32, #tpu.memory_space<hbm>> -> memref<10240x272xf32, #tpu.memory_space<hbm>>
      %dma_wait3A_412 = tpu.memref_slice %arg11[%rem3A_394] : memref<2x!tpu.dma_semaphore, #tpu.memory_space<semaphore_mem>> -> memref<1x!tpu.dma_semaphore, #tpu.memory_space<semaphore_mem>>
      %dma_wait3A_413 = tpu.memref_squeeze %dma_wait3A_412 : memref<1x!tpu.dma_semaphore, #tpu.memory_space<semaphore_mem>> -> memref<!tpu.dma_semaphore, #tpu.memory_space<semaphore_mem>>
      tpu.wait_indirect_dma semaphore(%dma_wait3A_413 : memref<!tpu.dma_semaphore, #tpu.memory_space<semaphore_mem>>) src(%dma_wait3A_411 : memref<10240x272xf32, #tpu.memory_space<hbm>>) dst(%dma_wait3A_405 : memref<80x272xf32, #tpu.memory_space<vmem>>)
      %scan3A_414 = arith.constant 0 : i32
      %scan3A_415 = arith.constant 0 : i32
      %scan3A_416 = arith.constant 80 : i32
      %scan3A_417 = arith.addi %scan3A_415, %scan3A_416 : i32
      %scan3A_418 = arith.constant 1 : i32
      %scan3A_419 = scf.for %scan3A_434 = %scan3A_415 to %scan3A_417 step %scan3A_418 iter_args(%scan3A_435 = %scan3A_414) -> (i32)  : i32 {
        %broadcast_in_dim3A_436 = vector.broadcast %scan3A_434 : i32 to vector<16xi32>
        %gather3A_437 = arith.constant 0 : i32
        %gather3A_438 = tpu.memref_slice %arg7[%rem3A_394, %gather3A_437] : memref<2x80xf32, #tpu.memory_space<vmem>> -> memref<1x80xf32, #tpu.memory_space<vmem>>
        %gather3A_439 = tpu.memref_squeeze %gather3A_438 : memref<1x80xf32, #tpu.memory_space<vmem>> -> memref<80xf32, #tpu.memory_space<vmem>>
        %gather3A_440 = tpu.vector_load_idx %gather3A_439[%broadcast_in_dim3A_436] : memref<80xf32, #tpu.memory_space<vmem>>[vector<16xi32>], vector<16xf32>,
        %get3A = arith.index_cast %rem3A_394 : i32 to index
        %get3A_441 = arith.index_cast %scan3A_434 : i32 to index
        %get3A_442 = arith.constant 0 : index
        %get3A_443 = tpu.vector_load %arg9[%get3A, %get3A_441, %get3A_442] {strides = array<i32>} : memref<2x80x272xf32, #tpu.memory_space<vmem>>, vector<16xf32>,
        %mul3A_444 = arith.mulf %get3A_443, %gather3A_440 : vector<16xf32>
        %swap3A_445 = arith.index_cast %rem3A_394 : i32 to index
        %swap3A_446 = arith.index_cast %scan3A_434 : i32 to index
        %swap3A_447 = arith.constant 0 : index
        %swap3A_448 = tpu.vector_load %arg9[%swap3A_445, %swap3A_446, %swap3A_447] {strides = array<i32>} : memref<2x80x272xf32, #tpu.memory_space<vmem>>, vector<16xf32>,
        tpu.vector_store %arg9[%swap3A_445, %swap3A_446, %swap3A_447], %mul3A_444 {strides = array<i32>} : memref<2x80x272xf32, #tpu.memory_space<vmem>>, vector<16xf32>,
        %get3A_449 = arith.index_cast %rem3A_394 : i32 to index
        %get3A_450 = arith.index_cast %scan3A_434 : i32 to index
        %get3A_451 = arith.constant 16 : index
        %get3A_452 = tpu.vector_load %arg9[%get3A_449, %get3A_450, %get3A_451] {strides = array<i32>} : memref<2x80x272xf32, #tpu.memory_space<vmem>>, vector<16xf32>,
        %mul3A_453 = arith.mulf %get3A_452, %gather3A_440 : vector<16xf32>
        %swap3A_454 = arith.index_cast %rem3A_394 : i32 to index
        %swap3A_455 = arith.index_cast %scan3A_434 : i32 to index
        %swap3A_456 = arith.constant 16 : index
        %swap3A_457 = tpu.vector_load %arg9[%swap3A_454, %swap3A_455, %swap3A_456] {strides = array<i32>} : memref<2x80x272xf32, #tpu.memory_space<vmem>>, vector<16xf32>,
        tpu.vector_store %arg9[%swap3A_454, %swap3A_455, %swap3A_456], %mul3A_453 {strides = array<i32>} : memref<2x80x272xf32, #tpu.memory_space<vmem>>, vector<16xf32>,
        %get3A_458 = arith.index_cast %rem3A_394 : i32 to index
        %get3A_459 = arith.index_cast %scan3A_434 : i32 to index
        %get3A_460 = arith.constant 32 : index
        %get3A_461 = tpu.vector_load %arg9[%get3A_458, %get3A_459, %get3A_460] {strides = array<i32>} : memref<2x80x272xf32, #tpu.memory_space<vmem>>, vector<16xf32>,
        %mul3A_462 = arith.mulf %get3A_461, %gather3A_440 : vector<16xf32>
        %swap3A_463 = arith.index_cast %rem3A_394 : i32 to index
        %swap3A_464 = arith.index_cast %scan3A_434 : i32 to index
        %swap3A_465 = arith.constant 32 : index
        %swap3A_466 = tpu.vector_load %arg9[%swap3A_463, %swap3A_464, %swap3A_465] {strides = array<i32>} : memref<2x80x272xf32, #tpu.memory_space<vmem>>, vector<16xf32>,
        tpu.vector_store %arg9[%swap3A_463, %swap3A_464, %swap3A_465], %mul3A_462 {strides = array<i32>} : memref<2x80x272xf32, #tpu.memory_space<vmem>>, vector<16xf32>,
        %get3A_467 = arith.index_cast %rem3A_394 : i32 to index
        %get3A_468 = arith.index_cast %scan3A_434 : i32 to index
        %get3A_469 = arith.constant 48 : index
        %get3A_470 = tpu.vector_load %arg9[%get3A_467, %get3A_468, %get3A_469] {strides = array<i32>} : memref<2x80x272xf32, #tpu.memory_space<vmem>>, vector<16xf32>,
        %mul3A_471 = arith.mulf %get3A_470, %gather3A_440 : vector<16xf32>
        %swap3A_472 = arith.index_cast %rem3A_394 : i32 to index
        %swap3A_473 = arith.index_cast %scan3A_434 : i32 to index
        %swap3A_474 = arith.constant 48 : index
        %swap3A_475 = tpu.vector_load %arg9[%swap3A_472, %swap3A_473, %swap3A_474] {strides = array<i32>} : memref<2x80x272xf32, #tpu.memory_space<vmem>>, vector<16xf32>,
        tpu.vector_store %arg9[%swap3A_472, %swap3A_473, %swap3A_474], %mul3A_471 {strides = array<i32>} : memref<2x80x272xf32, #tpu.memory_space<vmem>>, vector<16xf32>,
        %get3A_476 = arith.index_cast %rem3A_394 : i32 to index
        %get3A_477 = arith.index_cast %scan3A_434 : i32 to index
        %get3A_478 = arith.constant 64 : index
        %get3A_479 = tpu.vector_load %arg9[%get3A_476, %get3A_477, %get3A_478] {strides = array<i32>} : memref<2x80x272xf32, #tpu.memory_space<vmem>>, vector<16xf32>,
        %mul3A_480 = arith.mulf %get3A_479, %gather3A_440 : vector<16xf32>
        %swap3A_481 = arith.index_cast %rem3A_394 : i32 to index
        %swap3A_482 = arith.index_cast %scan3A_434 : i32 to index
        %swap3A_483 = arith.constant 64 : index
        %swap3A_484 = tpu.vector_load %arg9[%swap3A_481, %swap3A_482, %swap3A_483] {strides = array<i32>} : memref<2x80x272xf32, #tpu.memory_space<vmem>>, vector<16xf32>,
        tpu.vector_store %arg9[%swap3A_481, %swap3A_482, %swap3A_483], %mul3A_480 {strides = array<i32>} : memref<2x80x272xf32, #tpu.memory_space<vmem>>, vector<16xf32>,
        %get3A_485 = arith.index_cast %rem3A_394 : i32 to index
        %get3A_486 = arith.index_cast %scan3A_434 : i32 to index
        %get3A_487 = arith.constant 80 : index
        %get3A_488 = tpu.vector_load %arg9[%get3A_485, %get3A_486, %get3A_487] {strides = array<i32>} : memref<2x80x272xf32, #tpu.memory_space<vmem>>, vector<16xf32>,
        %mul3A_489 = arith.mulf %get3A_488, %gather3A_440 : vector<16xf32>
        %swap3A_490 = arith.index_cast %rem3A_394 : i32 to index
        %swap3A_491 = arith.index_cast %scan3A_434 : i32 to index
        %swap3A_492 = arith.constant 80 : index
        %swap3A_493 = tpu.vector_load %arg9[%swap3A_490, %swap3A_491, %swap3A_492] {strides = array<i32>} : memref<2x80x272xf32, #tpu.memory_space<vmem>>, vector<16xf32>,
        tpu.vector_store %arg9[%swap3A_490, %swap3A_491, %swap3A_492], %mul3A_489 {strides = array<i32>} : memref<2x80x272xf32, #tpu.memory_space<vmem>>, vector<16xf32>,
        %get3A_494 = arith.index_cast %rem3A_394 : i32 to index
        %get3A_495 = arith.index_cast %scan3A_434 : i32 to index
        %get3A_496 = arith.constant 96 : index
        %get3A_497 = tpu.vector_load %arg9[%get3A_494, %get3A_495, %get3A_496] {strides = array<i32>} : memref<2x80x272xf32, #tpu.memory_space<vmem>>, vector<16xf32>,
        %mul3A_498 = arith.mulf %get3A_497, %gather3A_440 : vector<16xf32>
        %swap3A_499 = arith.index_cast %rem3A_394 : i32 to index
        %swap3A_500 = arith.index_cast %scan3A_434 : i32 to index
        %swap3A_501 = arith.constant 96 : index
        %swap3A_502 = tpu.vector_load %arg9[%swap3A_499, %swap3A_500, %swap3A_501] {strides = array<i32>} : memref<2x80x272xf32, #tpu.memory_space<vmem>>, vector<16xf32>,
        tpu.vector_store %arg9[%swap3A_499, %swap3A_500, %swap3A_501], %mul3A_498 {strides = array<i32>} : memref<2x80x272xf32, #tpu.memory_space<vmem>>, vector<16xf32>,
        %get3A_503 = arith.index_cast %rem3A_394 : i32 to index
        %get3A_504 = arith.index_cast %scan3A_434 : i32 to index
        %get3A_505 = arith.constant 112 : index
        %get3A_506 = tpu.vector_load %arg9[%get3A_503, %get3A_504, %get3A_505] {strides = array<i32>} : memref<2x80x272xf32, #tpu.memory_space<vmem>>, vector<16xf32>,
        %mul3A_507 = arith.mulf %get3A_506, %gather3A_440 : vector<16xf32>
        %swap3A_508 = arith.index_cast %rem3A_394 : i32 to index
        %swap3A_509 = arith.index_cast %scan3A_434 : i32 to index
        %swap3A_510 = arith.constant 112 : index
        %swap3A_511 = tpu.vector_load %arg9[%swap3A_508, %swap3A_509, %swap3A_510] {strides = array<i32>} : memref<2x80x272xf32, #tpu.memory_space<vmem>>, vector<16xf32>,
        tpu.vector_store %arg9[%swap3A_508, %swap3A_509, %swap3A_510], %mul3A_507 {strides = array<i32>} : memref<2x80x272xf32, #tpu.memory_space<vmem>>, vector<16xf32>,
        %get3A_512 = arith.index_cast %rem3A_394 : i32 to index
        %get3A_513 = arith.index_cast %scan3A_434 : i32 to index
        %get3A_514 = arith.constant 128 : index
        %get3A_515 = tpu.vector_load %arg9[%get3A_512, %get3A_513, %get3A_514] {strides = array<i32>} : memref<2x80x272xf32, #tpu.memory_space<vmem>>, vector<16xf32>,
        %mul3A_516 = arith.mulf %get3A_515, %gather3A_440 : vector<16xf32>
        %swap3A_517 = arith.index_cast %rem3A_394 : i32 to index
        %swap3A_518 = arith.index_cast %scan3A_434 : i32 to index
        %swap3A_519 = arith.constant 128 : index
        %swap3A_520 = tpu.vector_load %arg9[%swap3A_517, %swap3A_518, %swap3A_519] {strides = array<i32>} : memref<2x80x272xf32, #tpu.memory_space<vmem>>, vector<16xf32>,
        tpu.vector_store %arg9[%swap3A_517, %swap3A_518, %swap3A_519], %mul3A_516 {strides = array<i32>} : memref<2x80x272xf32, #tpu.memory_space<vmem>>, vector<16xf32>,
        %get3A_521 = arith.index_cast %rem3A_394 : i32 to index
        %get3A_522 = arith.index_cast %scan3A_434 : i32 to index
        %get3A_523 = arith.constant 144 : index
        %get3A_524 = tpu.vector_load %arg9[%get3A_521, %get3A_522, %get3A_523] {strides = array<i32>} : memref<2x80x272xf32, #tpu.memory_space<vmem>>, vector<16xf32>,
        %mul3A_525 = arith.mulf %get3A_524, %gather3A_440 : vector<16xf32>
        %swap3A_526 = arith.index_cast %rem3A_394 : i32 to index
        %swap3A_527 = arith.index_cast %scan3A_434 : i32 to index
        %swap3A_528 = arith.constant 144 : index
        %swap3A_529 = tpu.vector_load %arg9[%swap3A_526, %swap3A_527, %swap3A_528] {strides = array<i32>} : memref<2x80x272xf32, #tpu.memory_space<vmem>>, vector<16xf32>,
        tpu.vector_store %arg9[%swap3A_526, %swap3A_527, %swap3A_528], %mul3A_525 {strides = array<i32>} : memref<2x80x272xf32, #tpu.memory_space<vmem>>, vector<16xf32>,
        %get3A_530 = arith.index_cast %rem3A_394 : i32 to index
        %get3A_531 = arith.index_cast %scan3A_434 : i32 to index
        %get3A_532 = arith.constant 160 : index
        %get3A_533 = tpu.vector_load %arg9[%get3A_530, %get3A_531, %get3A_532] {strides = array<i32>} : memref<2x80x272xf32, #tpu.memory_space<vmem>>, vector<16xf32>,
        %mul3A_534 = arith.mulf %get3A_533, %gather3A_440 : vector<16xf32>
        %swap3A_535 = arith.index_cast %rem3A_394 : i32 to index
        %swap3A_536 = arith.index_cast %scan3A_434 : i32 to index
        %swap3A_537 = arith.constant 160 : index
        %swap3A_538 = tpu.vector_load %arg9[%swap3A_535, %swap3A_536, %swap3A_537] {strides = array<i32>} : memref<2x80x272xf32, #tpu.memory_space<vmem>>, vector<16xf32>,
        tpu.vector_store %arg9[%swap3A_535, %swap3A_536, %swap3A_537], %mul3A_534 {strides = array<i32>} : memref<2x80x272xf32, #tpu.memory_space<vmem>>, vector<16xf32>,
        %get3A_539 = arith.index_cast %rem3A_394 : i32 to index
        %get3A_540 = arith.index_cast %scan3A_434 : i32 to index
        %get3A_541 = arith.constant 176 : index
        %get3A_542 = tpu.vector_load %arg9[%get3A_539, %get3A_540, %get3A_541] {strides = array<i32>} : memref<2x80x272xf32, #tpu.memory_space<vmem>>, vector<16xf32>,
        %mul3A_543 = arith.mulf %get3A_542, %gather3A_440 : vector<16xf32>
        %swap3A_544 = arith.index_cast %rem3A_394 : i32 to index
        %swap3A_545 = arith.index_cast %scan3A_434 : i32 to index
        %swap3A_546 = arith.constant 176 : index
        %swap3A_547 = tpu.vector_load %arg9[%swap3A_544, %swap3A_545, %swap3A_546] {strides = array<i32>} : memref<2x80x272xf32, #tpu.memory_space<vmem>>, vector<16xf32>,
        tpu.vector_store %arg9[%swap3A_544, %swap3A_545, %swap3A_546], %mul3A_543 {strides = array<i32>} : memref<2x80x272xf32, #tpu.memory_space<vmem>>, vector<16xf32>,
        %get3A_548 = arith.index_cast %rem3A_394 : i32 to index
        %get3A_549 = arith.index_cast %scan3A_434 : i32 to index
        %get3A_550 = arith.constant 192 : index
        %get3A_551 = tpu.vector_load %arg9[%get3A_548, %get3A_549, %get3A_550] {strides = array<i32>} : memref<2x80x272xf32, #tpu.memory_space<vmem>>, vector<16xf32>,
        %mul3A_552 = arith.mulf %get3A_551, %gather3A_440 : vector<16xf32>
        %swap3A_553 = arith.index_cast %rem3A_394 : i32 to index
        %swap3A_554 = arith.index_cast %scan3A_434 : i32 to index
        %swap3A_555 = arith.constant 192 : index
        %swap3A_556 = tpu.vector_load %arg9[%swap3A_553, %swap3A_554, %swap3A_555] {strides = array<i32>} : memref<2x80x272xf32, #tpu.memory_space<vmem>>, vector<16xf32>,
        tpu.vector_store %arg9[%swap3A_553, %swap3A_554, %swap3A_555], %mul3A_552 {strides = array<i32>} : memref<2x80x272xf32, #tpu.memory_space<vmem>>, vector<16xf32>,
        %get3A_557 = arith.index_cast %rem3A_394 : i32 to index
        %get3A_558 = arith.index_cast %scan3A_434 : i32 to index
        %get3A_559 = arith.constant 208 : index
        %get3A_560 = tpu.vector_load %arg9[%get3A_557, %get3A_558, %get3A_559] {strides = array<i32>} : memref<2x80x272xf32, #tpu.memory_space<vmem>>, vector<16xf32>,
        %mul3A_561 = arith.mulf %get3A_560, %gather3A_440 : vector<16xf32>
        %swap3A_562 = arith.index_cast %rem3A_394 : i32 to index
        %swap3A_563 = arith.index_cast %scan3A_434 : i32 to index
        %swap3A_564 = arith.constant 208 : index
        %swap3A_565 = tpu.vector_load %arg9[%swap3A_562, %swap3A_563, %swap3A_564] {strides = array<i32>} : memref<2x80x272xf32, #tpu.memory_space<vmem>>, vector<16xf32>,
        tpu.vector_store %arg9[%swap3A_562, %swap3A_563, %swap3A_564], %mul3A_561 {strides = array<i32>} : memref<2x80x272xf32, #tpu.memory_space<vmem>>, vector<16xf32>,
        %get3A_566 = arith.index_cast %rem3A_394 : i32 to index
        %get3A_567 = arith.index_cast %scan3A_434 : i32 to index
        %get3A_568 = arith.constant 224 : index
        %get3A_569 = tpu.vector_load %arg9[%get3A_566, %get3A_567, %get3A_568] {strides = array<i32>} : memref<2x80x272xf32, #tpu.memory_space<vmem>>, vector<16xf32>,
        %mul3A_570 = arith.mulf %get3A_569, %gather3A_440 : vector<16xf32>
        %swap3A_571 = arith.index_cast %rem3A_394 : i32 to index
        %swap3A_572 = arith.index_cast %scan3A_434 : i32 to index
        %swap3A_573 = arith.constant 224 : index
        %swap3A_574 = tpu.vector_load %arg9[%swap3A_571, %swap3A_572, %swap3A_573] {strides = array<i32>} : memref<2x80x272xf32, #tpu.memory_space<vmem>>, vector<16xf32>,
        tpu.vector_store %arg9[%swap3A_571, %swap3A_572, %swap3A_573], %mul3A_570 {strides = array<i32>} : memref<2x80x272xf32, #tpu.memory_space<vmem>>, vector<16xf32>,
        %get3A_575 = arith.index_cast %rem3A_394 : i32 to index
        %get3A_576 = arith.index_cast %scan3A_434 : i32 to index
        %get3A_577 = arith.constant 240 : index
        %get3A_578 = tpu.vector_load %arg9[%get3A_575, %get3A_576, %get3A_577] {strides = array<i32>} : memref<2x80x272xf32, #tpu.memory_space<vmem>>, vector<16xf32>,
        %mul3A_579 = arith.mulf %get3A_578, %gather3A_440 : vector<16xf32>
        %swap3A_580 = arith.index_cast %rem3A_394 : i32 to index
        %swap3A_581 = arith.index_cast %scan3A_434 : i32 to index
        %swap3A_582 = arith.constant 240 : index
        %swap3A_583 = tpu.vector_load %arg9[%swap3A_580, %swap3A_581, %swap3A_582] {strides = array<i32>} : memref<2x80x272xf32, #tpu.memory_space<vmem>>, vector<16xf32>,
        tpu.vector_store %arg9[%swap3A_580, %swap3A_581, %swap3A_582], %mul3A_579 {strides = array<i32>} : memref<2x80x272xf32, #tpu.memory_space<vmem>>, vector<16xf32>,
        %get3A_584 = arith.index_cast %rem3A_394 : i32 to index
        %get3A_585 = arith.index_cast %scan3A_434 : i32 to index
        %get3A_586 = arith.constant 256 : index
        %get3A_587 = tpu.vector_load %arg9[%get3A_584, %get3A_585, %get3A_586] {strides = array<i32>} : memref<2x80x272xf32, #tpu.memory_space<vmem>>, vector<16xf32>,
        %mul3A_588 = arith.mulf %get3A_587, %gather3A_440 : vector<16xf32>
        %swap3A_589 = arith.index_cast %rem3A_394 : i32 to index
        %swap3A_590 = arith.index_cast %scan3A_434 : i32 to index
        %swap3A_591 = arith.constant 256 : index
        %swap3A_592 = tpu.vector_load %arg9[%swap3A_589, %swap3A_590, %swap3A_591] {strides = array<i32>} : memref<2x80x272xf32, #tpu.memory_space<vmem>>, vector<16xf32>,
        tpu.vector_store %arg9[%swap3A_589, %swap3A_590, %swap3A_591], %mul3A_588 {strides = array<i32>} : memref<2x80x272xf32, #tpu.memory_space<vmem>>, vector<16xf32>,
        %scan3A_593 = arith.constant 0 : i32
        scf.yield %scan3A_593 : i32
      }
      %scan3A_420 = arith.constant 80 : i32
      %dma_start3A_421 = arith.constant 0 : i32
      %dma_start3A_422 = arith.constant 0 : i32
      %dma_start3A_423 = tpu.memref_slice %arg9[%rem3A_394, %dma_start3A_421, %dma_start3A_422] : memref<2x80x272xf32, #tpu.memory_space<vmem>> -> memref<1x80x272xf32, #tpu.memory_space<vmem>>
      %dma_start3A_424 = tpu.memref_squeeze %dma_start3A_423 : memref<1x80x272xf32, #tpu.memory_space<vmem>> -> memref<80x272xf32, #tpu.memory_space<vmem>>
      %dma_start3A_425 = arith.constant 0 : i32
      %dma_start3A_426 = tpu.memref_slice %arg8[%rem3A_394, %dma_start3A_425] : memref<2x80xi32, #tpu.memory_space<vmem>> -> memref<1x80xi32, #tpu.memory_space<vmem>>
      %dma_start3A_427 = tpu.memref_squeeze %dma_start3A_426 : memref<1x80xi32, #tpu.memory_space<vmem>> -> memref<80xi32, #tpu.memory_space<vmem>>
      %dma_start3A_428 = arith.constant 0 : i32
      %dma_start3A_429 = arith.constant 0 : i32
      %dma_start3A_430 = tpu.memref_slice %arg13[%dma_start3A_428, %dma_start3A_429] : memref<5008x272xf32, #tpu.memory_space<vmem_shared>> -> memref<5008x272xf32, #tpu.memory_space<vmem_shared>>
      %dma_start3A_431 = tpu.memref_slice %arg12[%rem3A_394] : memref<2x!tpu.dma_semaphore, #tpu.memory_space<semaphore_mem>> -> memref<1x!tpu.dma_semaphore, #tpu.memory_space<semaphore_mem>>
      %dma_start3A_432 = tpu.memref_squeeze %dma_start3A_431 : memref<1x!tpu.dma_semaphore, #tpu.memory_space<semaphore_mem>> -> memref<!tpu.dma_semaphore, #tpu.memory_space<semaphore_mem>>
      tpu.enqueue_indirect_dma source(%dma_start3A_424 : memref<80x272xf32, #tpu.memory_space<vmem>>) target(%dma_start3A_430 : memref<5008x272xf32, #tpu.memory_space<vmem_shared>>) offsets(%dma_start3A_427 : memref<80xi32, #tpu.memory_space<vmem>>) semaphore(%dma_start3A_432 : memref<!tpu.dma_semaphore, #tpu.memory_space<semaphore_mem>>) {add = true}
      %scan3A_433 = arith.constant 0 : i32
      scf.yield %scan3A_433 : i32
    }
    %scan3A_338 = arith.constant 125 : i32
    %dma_wait3A_339 = arith.constant 0 : i32
    %dma_wait3A_340 = arith.constant 0 : i32
    %dma_wait3A_341 = arith.constant 0 : i32
    %dma_wait3A_342 = arith.constant 0 : i32
    %dma_wait3A_343 = tpu.memref_slice %arg9[%dma_wait3A_339, %dma_wait3A_341, %dma_wait3A_342] : memref<2x80x272xf32, #tpu.memory_space<vmem>> -> memref<1x80x272xf32, #tpu.memory_space<vmem>>
    %dma_wait3A_344 = tpu.memref_squeeze %dma_wait3A_343 : memref<1x80x272xf32, #tpu.memory_space<vmem>> -> memref<80x272xf32, #tpu.memory_space<vmem>>
    %dma_wait3A_345 = arith.constant 0 : i32
    %dma_wait3A_346 = arith.constant 0 : i32
    %dma_wait3A_347 = tpu.memref_slice %arg3[%dma_wait3A_345, %dma_wait3A_346] : memref<10240x272xf32, #tpu.memory_space<hbm>> -> memref<80x272xf32, #tpu.memory_space<hbm>>
    %dma_wait3A_348 = tpu.memref_slice %arg12[%dma_wait3A_340] : memref<2x!tpu.dma_semaphore, #tpu.memory_space<semaphore_mem>> -> memref<1x!tpu.dma_semaphore, #tpu.memory_space<semaphore_mem>>
    %dma_wait3A_349 = tpu.memref_squeeze %dma_wait3A_348 : memref<1x!tpu.dma_semaphore, #tpu.memory_space<semaphore_mem>> -> memref<!tpu.dma_semaphore, #tpu.memory_space<semaphore_mem>>
    %dma_wait3A_350 = arith.constant 0 : i32
    %dma_wait3A_351 = arith.constant 0 : i32
    %dma_wait3A_352 = tpu.memref_slice %arg9[%dma_wait3A_339, %dma_wait3A_350, %dma_wait3A_351] : memref<2x80x272xf32, #tpu.memory_space<vmem>> -> memref<1x80x272xf32, #tpu.memory_space<vmem>>
    %dma_wait3A_353 = tpu.memref_squeeze %dma_wait3A_352 : memref<1x80x272xf32, #tpu.memory_space<vmem>> -> memref<80x272xf32, #tpu.memory_space<vmem>>
    %dma_wait3A_354 = arith.constant 0 : i32
    %dma_wait3A_355 = arith.constant 0 : i32
    %dma_wait3A_356 = tpu.memref_slice %arg3[%dma_wait3A_354, %dma_wait3A_355] : memref<10240x272xf32, #tpu.memory_space<hbm>> -> memref<80x272xf32, #tpu.memory_space<hbm>>
    tpu.wait_dma2 semaphore(%dma_wait3A_349 : memref<!tpu.dma_semaphore, #tpu.memory_space<semaphore_mem>>) src(%dma_wait3A_356 : memref<80x272xf32, #tpu.memory_space<hbm>>) dst(%dma_wait3A_353 : memref<80x272xf32, #tpu.memory_space<vmem>>)
    %dma_wait3A_357 = arith.constant 1 : i32
    %dma_wait3A_358 = arith.constant 1 : i32
    %dma_wait3A_359 = arith.constant 0 : i32
    %dma_wait3A_360 = arith.constant 0 : i32
    %dma_wait3A_361 = tpu.memref_slice %arg9[%dma_wait3A_357, %dma_wait3A_359, %dma_wait3A_360] : memref<2x80x272xf32, #tpu.memory_space<vmem>> -> memref<1x80x272xf32, #tpu.memory_space<vmem>>
    %dma_wait3A_362 = tpu.memref_squeeze %dma_wait3A_361 : memref<1x80x272xf32, #tpu.memory_space<vmem>> -> memref<80x272xf32, #tpu.memory_space<vmem>>
    %dma_wait3A_363 = arith.constant 0 : i32
    %dma_wait3A_364 = arith.constant 0 : i32
    %dma_wait3A_365 = tpu.memref_slice %arg3[%dma_wait3A_363, %dma_wait3A_364] : memref<10240x272xf32, #tpu.memory_space<hbm>> -> memref<80x272xf32, #tpu.memory_space<hbm>>
    %dma_wait3A_366 = tpu.memref_slice %arg12[%dma_wait3A_358] : memref<2x!tpu.dma_semaphore, #tpu.memory_space<semaphore_mem>> -> memref<1x!tpu.dma_semaphore, #tpu.memory_space<semaphore_mem>>
    %dma_wait3A_367 = tpu.memref_squeeze %dma_wait3A_366 : memref<1x!tpu.dma_semaphore, #tpu.memory_space<semaphore_mem>> -> memref<!tpu.dma_semaphore, #tpu.memory_space<semaphore_mem>>
    %dma_wait3A_368 = arith.constant 0 : i32
    %dma_wait3A_369 = arith.constant 0 : i32
    %dma_wait3A_370 = tpu.memref_slice %arg9[%dma_wait3A_357, %dma_wait3A_368, %dma_wait3A_369] : memref<2x80x272xf32, #tpu.memory_space<vmem>> -> memref<1x80x272xf32, #tpu.memory_space<vmem>>
    %dma_wait3A_371 = tpu.memref_squeeze %dma_wait3A_370 : memref<1x80x272xf32, #tpu.memory_space<vmem>> -> memref<80x272xf32, #tpu.memory_space<vmem>>
    %dma_wait3A_372 = arith.constant 0 : i32
    %dma_wait3A_373 = arith.constant 0 : i32
    %dma_wait3A_374 = tpu.memref_slice %arg3[%dma_wait3A_372, %dma_wait3A_373] : memref<10240x272xf32, #tpu.memory_space<hbm>> -> memref<80x272xf32, #tpu.memory_space<hbm>>
    tpu.wait_dma2 semaphore(%dma_wait3A_367 : memref<!tpu.dma_semaphore, #tpu.memory_space<semaphore_mem>>) src(%dma_wait3A_374 : memref<80x272xf32, #tpu.memory_space<hbm>>) dst(%dma_wait3A_371 : memref<80x272xf32, #tpu.memory_space<vmem>>)
    %barrier3A_375 = arith.constant 0 : index
    tpu.barrier barrier_id(%barrier3A_375)
    %add3A_376 = arith.constant 0 : i32
    %add3A_377 = arith.addi %mul3A_11, %add3A_376 : i32
    %add3A_378 = arith.constant 0 : i32
    %add3A_379 = arith.addi %mul3A_11, %add3A_378 : i32
    "tpu.region"() ({
      %run_scoped3A_392 = tpu.sem_alloc : memref<!tpu.dma_semaphore, #tpu.memory_space<semaphore_mem>>
      %dma_start3A_393 = arith.constant 0 : i32
      %dma_start3A_394 = tpu.memref_slice %arg4[%arg0, %add3A_379, %dma_start3A_393] : memref<2x5008x272xf32, #tpu.memory_space<hbm>> -> memref<1x80x272xf32, #tpu.memory_space<hbm>>
      %dma_start3A_395 = tpu.memref_squeeze %dma_start3A_394 : memref<1x80x272xf32, #tpu.memory_space<hbm>> -> memref<80x272xf32, #tpu.memory_space<hbm>>
      %dma_start3A_396 = arith.constant 0 : i32
      %dma_start3A_397 = tpu.memref_slice %arg13[%add3A_377, %dma_start3A_396] : memref<5008x272xf32, #tpu.memory_space<vmem_shared>> -> memref<80x272xf32, #tpu.memory_space<vmem_shared>>
      tpu.enqueue_dma source(%dma_start3A_397 : memref<80x272xf32, #tpu.memory_space<vmem_shared>>) target(%dma_start3A_395 : memref<80x272xf32, #tpu.memory_space<hbm>>) target_semaphore(%run_scoped3A_392 : memref<!tpu.dma_semaphore, #tpu.memory_space<semaphore_mem>>)
      %dma_wait3A_398 = arith.constant 0 : i32
      %dma_wait3A_399 = tpu.memref_slice %arg4[%arg0, %add3A_379, %dma_wait3A_398] : memref<2x5008x272xf32, #tpu.memory_space<hbm>> -> memref<1x80x272xf32, #tpu.memory_space<hbm>>
      %dma_wait3A_400 = tpu.memref_squeeze %dma_wait3A_399 : memref<1x80x272xf32, #tpu.memory_space<hbm>> -> memref<80x272xf32, #tpu.memory_space<hbm>>
      %dma_wait3A_401 = arith.constant 0 : i32
      %dma_wait3A_402 = tpu.memref_slice %arg13[%add3A_377, %dma_wait3A_401] : memref<5008x272xf32, #tpu.memory_space<vmem_shared>> -> memref<80x272xf32, #tpu.memory_space<vmem_shared>>
      tpu.wait_dma2 semaphore(%run_scoped3A_392 : memref<!tpu.dma_semaphore, #tpu.memory_space<semaphore_mem>>) src(%dma_wait3A_402 : memref<80x272xf32, #tpu.memory_space<vmem_shared>>) dst(%dma_wait3A_400 : memref<80x272xf32, #tpu.memory_space<hbm>>)
      tpu.yield
    }) : () -> ()
    %add3A_380 = arith.constant 80 : i32
    %add3A_381 = arith.addi %mul3A_11, %add3A_380 : i32
    %add3A_382 = arith.constant 80 : i32
    %add3A_383 = arith.addi %mul3A_11, %add3A_382 : i32
    "tpu.region"() ({
      %run_scoped3A_392 = tpu.sem_alloc : memref<!tpu.dma_semaphore, #tpu.memory_space<semaphore_mem>>
      %dma_start3A_393 = arith.constant 0 : i32
      %dma_start3A_394 = tpu.memref_slice %arg4[%arg0, %add3A_383, %dma_start3A_393] : memref<2x5008x272xf32, #tpu.memory_space<hbm>> -> memref<1x80x272xf32, #tpu.memory_space<hbm>>
      %dma_start3A_395 = tpu.memref_squeeze %dma_start3A_394 : memref<1x80x272xf32, #tpu.memory_space<hbm>> -> memref<80x272xf32, #tpu.memory_space<hbm>>
      %dma_start3A_396 = arith.constant 0 : i32
      %dma_start3A_397 = tpu.memref_slice %arg13[%add3A_381, %dma_start3A_396] : memref<5008x272xf32, #tpu.memory_space<vmem_shared>> -> memref<80x272xf32, #tpu.memory_space<vmem_shared>>
      tpu.enqueue_dma source(%dma_start3A_397 : memref<80x272xf32, #tpu.memory_space<vmem_shared>>) target(%dma_start3A_395 : memref<80x272xf32, #tpu.memory_space<hbm>>) target_semaphore(%run_scoped3A_392 : memref<!tpu.dma_semaphore, #tpu.memory_space<semaphore_mem>>)
      %dma_wait3A_398 = arith.constant 0 : i32
      %dma_wait3A_399 = tpu.memref_slice %arg4[%arg0, %add3A_383, %dma_wait3A_398] : memref<2x5008x272xf32, #tpu.memory_space<hbm>> -> memref<1x80x272xf32, #tpu.memory_space<hbm>>
      %dma_wait3A_400 = tpu.memref_squeeze %dma_wait3A_399 : memref<1x80x272xf32, #tpu.memory_space<hbm>> -> memref<80x272xf32, #tpu.memory_space<hbm>>
      %dma_wait3A_401 = arith.constant 0 : i32
      %dma_wait3A_402 = tpu.memref_slice %arg13[%add3A_381, %dma_wait3A_401] : memref<5008x272xf32, #tpu.memory_space<vmem_shared>> -> memref<80x272xf32, #tpu.memory_space<vmem_shared>>
      tpu.wait_dma2 semaphore(%run_scoped3A_392 : memref<!tpu.dma_semaphore, #tpu.memory_space<semaphore_mem>>) src(%dma_wait3A_402 : memref<80x272xf32, #tpu.memory_space<vmem_shared>>) dst(%dma_wait3A_400 : memref<80x272xf32, #tpu.memory_space<hbm>>)
      tpu.yield
    }) : () -> ()
    %add3A_384 = arith.constant 160 : i32
    %add3A_385 = arith.addi %mul3A_11, %add3A_384 : i32
    %add3A_386 = arith.constant 160 : i32
    %add3A_387 = arith.addi %mul3A_11, %add3A_386 : i32
    "tpu.region"() ({
      %run_scoped3A_392 = tpu.sem_alloc : memref<!tpu.dma_semaphore, #tpu.memory_space<semaphore_mem>>
      %dma_start3A_393 = arith.constant 0 : i32
      %dma_start3A_394 = tpu.memref_slice %arg4[%arg0, %add3A_387, %dma_start3A_393] : memref<2x5008x272xf32, #tpu.memory_space<hbm>> -> memref<1x80x272xf32, #tpu.memory_space<hbm>>
      %dma_start3A_395 = tpu.memref_squeeze %dma_start3A_394 : memref<1x80x272xf32, #tpu.memory_space<hbm>> -> memref<80x272xf32, #tpu.memory_space<hbm>>
      %dma_start3A_396 = arith.constant 0 : i32
      %dma_start3A_397 = tpu.memref_slice %arg13[%add3A_385, %dma_start3A_396] : memref<5008x272xf32, #tpu.memory_space<vmem_shared>> -> memref<80x272xf32, #tpu.memory_space<vmem_shared>>
      tpu.enqueue_dma source(%dma_start3A_397 : memref<80x272xf32, #tpu.memory_space<vmem_shared>>) target(%dma_start3A_395 : memref<80x272xf32, #tpu.memory_space<hbm>>) target_semaphore(%run_scoped3A_392 : memref<!tpu.dma_semaphore, #tpu.memory_space<semaphore_mem>>)
      %dma_wait3A_398 = arith.constant 0 : i32
      %dma_wait3A_399 = tpu.memref_slice %arg4[%arg0, %add3A_387, %dma_wait3A_398] : memref<2x5008x272xf32, #tpu.memory_space<hbm>> -> memref<1x80x272xf32, #tpu.memory_space<hbm>>
      %dma_wait3A_400 = tpu.memref_squeeze %dma_wait3A_399 : memref<1x80x272xf32, #tpu.memory_space<hbm>> -> memref<80x272xf32, #tpu.memory_space<hbm>>
      %dma_wait3A_401 = arith.constant 0 : i32
      %dma_wait3A_402 = tpu.memref_slice %arg13[%add3A_385, %dma_wait3A_401] : memref<5008x272xf32, #tpu.memory_space<vmem_shared>> -> memref<80x272xf32, #tpu.memory_space<vmem_shared>>
      tpu.wait_dma2 semaphore(%run_scoped3A_392 : memref<!tpu.dma_semaphore, #tpu.memory_space<semaphore_mem>>) src(%dma_wait3A_402 : memref<80x272xf32, #tpu.memory_space<vmem_shared>>) dst(%dma_wait3A_400 : memref<80x272xf32, #tpu.memory_space<hbm>>)
      tpu.yield
    }) : () -> ()
    %add3A_388 = arith.constant 240 : i32
    %add3A_389 = arith.addi %mul3A_11, %add3A_388 : i32
    %add3A_390 = arith.constant 240 : i32
    %add3A_391 = arith.addi %mul3A_11, %add3A_390 : i32
    "tpu.region"() ({
      %run_scoped3A_392 = tpu.sem_alloc : memref<!tpu.dma_semaphore, #tpu.memory_space<semaphore_mem>>
      %dma_start3A_393 = arith.constant 0 : i32
      %dma_start3A_394 = tpu.memref_slice %arg4[%arg0, %add3A_391, %dma_start3A_393] : memref<2x5008x272xf32, #tpu.memory_space<hbm>> -> memref<1x73x272xf32, #tpu.memory_space<hbm>>
      %dma_start3A_395 = tpu.memref_squeeze %dma_start3A_394 : memref<1x73x272xf32, #tpu.memory_space<hbm>> -> memref<73x272xf32, #tpu.memory_space<hbm>>
      %dma_start3A_396 = arith.constant 0 : i32
      %dma_start3A_397 = tpu.memref_slice %arg13[%add3A_389, %dma_start3A_396] : memref<5008x272xf32, #tpu.memory_space<vmem_shared>> -> memref<73x272xf32, #tpu.memory_space<vmem_shared>>
      tpu.enqueue_dma source(%dma_start3A_397 : memref<73x272xf32, #tpu.memory_space<vmem_shared>>) target(%dma_start3A_395 : memref<73x272xf32, #tpu.memory_space<hbm>>) target_semaphore(%run_scoped3A_392 : memref<!tpu.dma_semaphore, #tpu.memory_space<semaphore_mem>>)
      %dma_wait3A_398 = arith.constant 0 : i32
      %dma_wait3A_399 = tpu.memref_slice %arg4[%arg0, %add3A_391, %dma_wait3A_398] : memref<2x5008x272xf32, #tpu.memory_space<hbm>> -> memref<1x73x272xf32, #tpu.memory_space<hbm>>
      %dma_wait3A_400 = tpu.memref_squeeze %dma_wait3A_399 : memref<1x73x272xf32, #tpu.memory_space<hbm>> -> memref<73x272xf32, #tpu.memory_space<hbm>>
      %dma_wait3A_401 = arith.constant 0 : i32
      %dma_wait3A_402 = tpu.memref_slice %arg13[%add3A_389, %dma_wait3A_401] : memref<5008x272xf32, #tpu.memory_space<vmem_shared>> -> memref<73x272xf32, #tpu.memory_space<vmem_shared>>
      tpu.wait_dma2 semaphore(%run_scoped3A_392 : memref<!tpu.dma_semaphore, #tpu.memory_space<semaphore_mem>>) src(%dma_wait3A_402 : memref<73x272xf32, #tpu.memory_space<vmem_shared>>) dst(%dma_wait3A_400 : memref<73x272xf32, #tpu.memory_space<hbm>>)
      tpu.yield
    }) : () -> ()
    return
  }
}

module attributes {stable_mosaic.version = 14 : i64} {
  func.func @_tc1_body(%arg0: i32, %arg1: memref<1024x272xf32, #tpu.memory_space<vmem>>, %arg2: memref<272x272xf32, #tpu.memory_space<vmem>>, %arg3: memref<272x128xf32, #tpu.memory_space<vmem>>, %arg4: memref<1024x272xf32, #tpu.memory_space<vmem>>, %arg5: memref<1024x128xf32, #tpu.memory_space<vmem>>, %arg6: memref<2x128xf32, #tpu.memory_space<vmem>>) attributes {dimension_semantics = [#tpu.dimension_semantics<arbitrary>], iteration_bounds = array<i64: 10>, scalar_prefetch = 0 : i64, scratch_operands = 0 : i64, tpu.core_type = #tpu.core_type<tc>, window_params = [{transform_indices = @transform_0, window_bounds = array<i64: 1024, 272>}, {pipeline_mode = #tpu.pipeline_mode<synchronous>, transform_indices = @transform_1, window_bounds = array<i64: 272, 272>}, {pipeline_mode = #tpu.pipeline_mode<synchronous>, transform_indices = @transform_2, window_bounds = array<i64: 272, 128>}, {transform_indices = @transform_3, window_bounds = array<i64: 1024, 272>}, {transform_indices = @transform_4, window_bounds = array<i64: 1024, 128>}, {pipeline_mode = #tpu.pipeline_mode<synchronous>, transform_indices = @transform_5, window_bounds = array<i64: 2, 128>}]} {
    %get3A = arith.constant 0 : index
    %get3A_0 = arith.constant 0 : index
    %get3A_1 = vector.load %arg1[%get3A, %get3A_0] : memref<1024x272xf32, #tpu.memory_space<vmem>>, vector<1024x272xf32>
    %get3A_2 = arith.constant 0 : index
    %get3A_3 = arith.constant 0 : index
    %get3A_4 = vector.load %arg2[%get3A_2, %get3A_3] : memref<272x272xf32, #tpu.memory_space<vmem>>, vector<272x272xf32>
    %dot_general3A = arith.constant dense<0.000000e+00> : vector<1024x272xf32>
    %dot_general3A_5 = tpu.matmul %get3A_1, %get3A_4, %dot_general3A {dimension_numbers = #tpu.dot_dimension_numbers<[1], [0], [0], [1], [0, 0, 1, 1], [], []>, transpose_lhs_hint = false} : vector<1024x272xf32>, vector<272x272xf32>, vector<1024x272xf32> -> vector<1024x272xf32>
    %swap3A = arith.constant 0 : index
    %swap3A_6 = arith.constant 0 : index
    %swap3A_7 = vector.load %arg4[%swap3A, %swap3A_6] : memref<1024x272xf32, #tpu.memory_space<vmem>>, vector<1024x272xf32>
    tpu.vector_store %arg4[%swap3A, %swap3A_6], %dot_general3A_5 {strides = array<i32>} : memref<1024x272xf32, #tpu.memory_space<vmem>>, vector<1024x272xf32>,
    %get3A_8 = arith.constant 0 : index
    %get3A_9 = arith.constant 0 : index
    %get3A_10 = vector.load %arg3[%get3A_8, %get3A_9] : memref<272x128xf32, #tpu.memory_space<vmem>>, vector<272x128xf32>
    %dot_general3A_11 = arith.constant dense<0.000000e+00> : vector<1024x128xf32>
    %dot_general3A_12 = tpu.matmul %dot_general3A_5, %get3A_10, %dot_general3A_11 {dimension_numbers = #tpu.dot_dimension_numbers<[1], [0], [0], [1], [0, 0, 1, 1], [], []>, transpose_lhs_hint = false} : vector<1024x272xf32>, vector<272x128xf32>, vector<1024x128xf32> -> vector<1024x128xf32>
    %swap3A_13 = arith.constant 0 : index
    %swap3A_14 = arith.constant 0 : index
    %swap3A_15 = vector.load %arg5[%swap3A_13, %swap3A_14] : memref<1024x128xf32, #tpu.memory_space<vmem>>, vector<1024x128xf32>
    tpu.vector_store %arg5[%swap3A_13, %swap3A_14], %dot_general3A_12 {strides = array<i32>} : memref<1024x128xf32, #tpu.memory_space<vmem>>, vector<1024x128xf32>,
    %eq3A = arith.constant 0 : i32
    %eq3A_16 = arith.cmpi eq, %arg0, %eq3A : i32
    %convert_element_type3A = arith.extui %eq3A_16 : i1 to i32
    %cond3A = arith.constant 0 : i32
    %cond3A_17 = arith.cmpi ne, %convert_element_type3A, %cond3A : i32
    scf.if %cond3A_17 {
      %broadcast_in_dim3A_36 = arith.constant 0xFF800000 : f32
      %broadcast_in_dim3A_37 = vector.broadcast %broadcast_in_dim3A_36 : f32 to vector<2x128xf32>
      %swap3A_38 = arith.constant 0 : index
      %swap3A_39 = arith.constant 0 : index
      %swap3A_40 = vector.load %arg6[%swap3A_38, %swap3A_39] : memref<2x128xf32, #tpu.memory_space<vmem>>, vector<2x128xf32>
      tpu.vector_store %arg6[%swap3A_38, %swap3A_39], %broadcast_in_dim3A_37 {strides = array<i32>} : memref<2x128xf32, #tpu.memory_space<vmem>>, vector<2x128xf32>,
    } else {
    }
    %slice3A = vector.extract_strided_slice %dot_general3A_12 {offsets = [0, 0], sizes = [1024, 1], strides = [1, 1]} : vector<1024x128xf32> to vector<1024x1xf32>
    %squeeze3A = vector.shape_cast %slice3A : vector<1024x1xf32> to vector<1024xf32>
    %reduce_max3A = vector.shape_cast %squeeze3A : vector<1024xf32> to vector<1x1024xf32>
    %reduce_max3A_18 = arith.constant dense<0xFF800000> : vector<1xf32>
    %reduce_max3A_19 = vector.multi_reduction <maximumf>, %reduce_max3A, %reduce_max3A_18 [1] : vector<1x1024xf32> to vector<1xf32>
    %reduce_max3A_20 = vector.shape_cast %reduce_max3A_19 : vector<1xf32> to vector<1x1xf32>
    %reduce_max3A_21 = vector.extract %reduce_max3A_20[0, 0] : f32 from vector<1x1xf32>
    %slice3A_22 = vector.extract_strided_slice %dot_general3A_12 {offsets = [0, 1], sizes = [1024, 1], strides = [1, 1]} : vector<1024x128xf32> to vector<1024x1xf32>
    %squeeze3A_23 = vector.shape_cast %slice3A_22 : vector<1024x1xf32> to vector<1024xf32>
    %reduce_max3A_24 = vector.shape_cast %squeeze3A_23 : vector<1024xf32> to vector<1x1024xf32>
    %reduce_max3A_25 = arith.constant dense<0xFF800000> : vector<1xf32>
    %reduce_max3A_26 = vector.multi_reduction <maximumf>, %reduce_max3A_24, %reduce_max3A_25 [1] : vector<1x1024xf32> to vector<1xf32>
    %reduce_max3A_27 = vector.shape_cast %reduce_max3A_26 : vector<1xf32> to vector<1x1xf32>
    %reduce_max3A_28 = vector.extract %reduce_max3A_27[0, 0] : f32 from vector<1x1xf32>
    %broadcast_in_dim3A = vector.broadcast %reduce_max3A_21 : f32 to vector<1x128xf32>
    %broadcast_in_dim3A_29 = vector.broadcast %reduce_max3A_28 : f32 to vector<1x128xf32>
    %concatenate3A = tpu.concatenate %broadcast_in_dim3A, %broadcast_in_dim3A_29 in 0 : vector<1x128xf32>, vector<1x128xf32> -> vector<2x128xf32>
    %get3A_30 = arith.constant 0 : index
    %get3A_31 = arith.constant 0 : index
    %get3A_32 = vector.load %arg6[%get3A_30, %get3A_31] : memref<2x128xf32, #tpu.memory_space<vmem>>, vector<2x128xf32>
    %max3A = arith.maximumf %get3A_32, %concatenate3A : vector<2x128xf32>
    %swap3A_33 = arith.constant 0 : index
    %swap3A_34 = arith.constant 0 : index
    %swap3A_35 = vector.load %arg6[%swap3A_33, %swap3A_34] : memref<2x128xf32, #tpu.memory_space<vmem>>, vector<2x128xf32>
    tpu.vector_store %arg6[%swap3A_33, %swap3A_34], %max3A {strides = array<i32>} : memref<2x128xf32, #tpu.memory_space<vmem>>, vector<2x128xf32>,
    return
  }
  func.func @transform_0(%arg0: i32) -> (i32, i32) {
    %c0_i32 = arith.constant 0 : i32
    %c0_i32_0 = arith.constant 0 : i32
    return %arg0, %c0_i32 : i32, i32
  }
  func.func @transform_1(%arg0: i32) -> (i32, i32) {
    %c0_i32 = arith.constant 0 : i32
    %c0_i32_0 = arith.constant 0 : i32
    %c0_i32_1 = arith.constant 0 : i32
    return %c0_i32, %c0_i32_0 : i32, i32
  }
  func.func @transform_2(%arg0: i32) -> (i32, i32) {
    %c0_i32 = arith.constant 0 : i32
    %c0_i32_0 = arith.constant 0 : i32
    %c0_i32_1 = arith.constant 0 : i32
    return %c0_i32, %c0_i32_0 : i32, i32
  }
  func.func @transform_3(%arg0: i32) -> (i32, i32) {
    %c0_i32 = arith.constant 0 : i32
    %c0_i32_0 = arith.constant 0 : i32
    return %arg0, %c0_i32 : i32, i32
  }
  func.func @transform_4(%arg0: i32) -> (i32, i32) {
    %c0_i32 = arith.constant 0 : i32
    %c0_i32_0 = arith.constant 0 : i32
    return %arg0, %c0_i32 : i32, i32
  }
  func.func @transform_5(%arg0: i32) -> (i32, i32) {
    %c0_i32 = arith.constant 0 : i32
    %c0_i32_0 = arith.constant 0 : i32
    %c0_i32_1 = arith.constant 0 : i32
    return %c0_i32, %c0_i32_0 : i32, i32
  }
}

module attributes {stable_mosaic.version = 14 : i64} {
  func.func @_tc2_body(%arg0: i32, %arg1: memref<1x1000x272xf32, #tpu.memory_space<vmem>>, %arg2: memref<1000x256xf32, #tpu.memory_space<vmem>>) attributes {dimension_semantics = [#tpu.dimension_semantics<arbitrary>], iteration_bounds = array<i64: 10>, scalar_prefetch = 0 : i64, scratch_operands = 0 : i64, tpu.core_type = #tpu.core_type<tc>, window_params = [{transform_indices = @transform_0, window_bounds = array<i64: 1, 1000, 272>}, {transform_indices = @transform_1, window_bounds = array<i64: 1000, 256>}]} {
    %get3A = arith.constant 0 : index
    %get3A_0 = arith.constant 0 : index
    %get3A_1 = arith.constant 0 : index
    %get3A_2 = vector.load %arg1[%get3A, %get3A_0, %get3A_1] : memref<1x1000x272xf32, #tpu.memory_space<vmem>>, vector<1x1000x272xf32>
    %get3A_3 = vector.shape_cast %get3A_2 : vector<1x1000x272xf32> to vector<1000x272xf32>
    %slice3A = vector.extract_strided_slice %get3A_3 {offsets = [0, 256], sizes = [1000, 1], strides = [1, 1]} : vector<1000x272xf32> to vector<1000x1xf32>
    %slice3A_4 = vector.extract_strided_slice %get3A_3 {offsets = [0, 0], sizes = [1000, 256], strides = [1, 1]} : vector<1000x272xf32> to vector<1000x256xf32>
    %jit3A = arith.constant 9.99999971E-10 : f32
    %max3A = vector.broadcast %jit3A : f32 to vector<1000x1xf32>
    %max3A_5 = arith.maximumf %max3A, %slice3A : vector<1000x1xf32>
    %div3A = vector.broadcast %max3A_5 : vector<1000x1xf32> to vector<1000x256xf32>
    %div3A_6 = arith.divf %slice3A_4, %div3A : vector<1000x256xf32>
    %swap3A = arith.constant 0 : index
    %swap3A_7 = arith.constant 0 : index
    %swap3A_8 = vector.load %arg2[%swap3A, %swap3A_7] : memref<1000x256xf32, #tpu.memory_space<vmem>>, vector<1000x256xf32>
    tpu.vector_store %arg2[%swap3A, %swap3A_7], %div3A_6 {strides = array<i32>} : memref<1000x256xf32, #tpu.memory_space<vmem>>, vector<1000x256xf32>,
    return
  }
  func.func @transform_0(%arg0: i32) -> (i32, i32, i32) {
    %jit3A = arith.constant 5 : i32
    %div3A = arith.divsi %arg0, %jit3A : i32
    %sign3A = arith.constant 0 : i32
    %sign3A_0 = arith.cmpi sgt, %arg0, %sign3A : i32
    %sign3A_1 = arith.extui %sign3A_0 : i1 to i32
    %sign3A_2 = arith.constant 0 : i32
    %sign3A_3 = arith.cmpi slt, %arg0, %sign3A_2 : i32
    %sign3A_4 = arith.extui %sign3A_3 : i1 to i32
    %sign3A_5 = arith.subi %sign3A_1, %sign3A_4 : i32
    %sign3A_6 = arith.constant 0 : i32
    %sign3A_7 = arith.cmpi sgt, %jit3A, %sign3A_6 : i32
    %sign3A_8 = arith.extui %sign3A_7 : i1 to i32
    %sign3A_9 = arith.constant 0 : i32
    %sign3A_10 = arith.cmpi slt, %jit3A, %sign3A_9 : i32
    %sign3A_11 = arith.extui %sign3A_10 : i1 to i32
    %sign3A_12 = arith.subi %sign3A_8, %sign3A_11 : i32
    %ne3A = arith.cmpi ne, %sign3A_5, %sign3A_12 : i32
    %rem3A = arith.remsi %arg0, %jit3A : i32
    %ne3A_13 = arith.constant 0 : i32
    %ne3A_14 = arith.cmpi ne, %rem3A, %ne3A_13 : i32
    %and3A = arith.andi %ne3A, %ne3A_14 : i1
    %sub3A = arith.constant 1 : i32
    %sub3A_15 = arith.subi %div3A, %sub3A : i32
    %select_n3A = arith.select %and3A, %sub3A_15, %div3A : i32
    %jit3A_16 = arith.constant 5 : i32
    %eq3A = arith.constant 0 : i32
    %eq3A_17 = arith.cmpi eq, %jit3A_16, %eq3A : i32
    %jit3A_18 = arith.constant 1 : i32
    %select_n3A_19 = arith.select %eq3A_17, %jit3A_18, %jit3A_16 : i32
    %rem3A_20 = arith.remsi %arg0, %select_n3A_19 : i32
    %ne3A_21 = arith.constant 0 : i32
    %ne3A_22 = arith.cmpi ne, %rem3A_20, %ne3A_21 : i32
    %lt3A = arith.constant 0 : i32
    %lt3A_23 = arith.cmpi slt, %rem3A_20, %lt3A : i32
    %lt3A_24 = arith.constant 0 : i32
    %lt3A_25 = arith.cmpi slt, %select_n3A_19, %lt3A_24 : i32
    %ne3A_26 = arith.xori %lt3A_23, %lt3A_25 : i1
    %and3A_27 = arith.andi %ne3A_26, %ne3A_22 : i1
    %add3A = arith.addi %rem3A_20, %select_n3A_19 : i32
    %select_n3A_28 = arith.select %and3A_27, %add3A, %rem3A_20 : i32
    %c0_i32 = arith.constant 0 : i32
    %c0_i32_29 = arith.constant 0 : i32
    return %select_n3A, %select_n3A_28, %c0_i32 : i32, i32, i32
  }
  func.func @transform_1(%arg0: i32) -> (i32, i32) {
    %c0_i32 = arith.constant 0 : i32
    %c0_i32_0 = arith.constant 0 : i32
    return %arg0, %c0_i32 : i32, i32
  }
}

</mosaic_0001>

<sc_bundles>
// kernel: kernel.6.cloned.1.call-start
scs
__scs_entry_jumppad:
0x0: {  	(pc) =	sbr.rel $0x88, $3  }
0x1: {  	(tag) =	ssettag $0x0;
	lr =	simm.s32 $0x1  }
0x2: {  	[smem:$0x3F9C] =	sst lr;
	_ =	strace $0xD0000000  }
0x3: {  	_ = 	snop  }
0x4: {  	_ = 	snop  }
0x5: {  	_ = 	snop  }
0x6: {  	_ = 	snop  }
0x7: {  	_ = 	snop  }
__scs_overlays_trampoline_lowered:
0x8: {  	[smem:$0x3FAB] =	sst s0  }
0x9: {  	[smem:$0x3FAC] =	sst s1  }
0xa: {  	[smem:$0x3FAD] =	sst s2  }
0xb: {  	[smem:$0x3FAE] =	sst s3  }
0xc: {  	[smem:$0x3FAF] =	sst s4  }
0xd: {  	[smem:$0x3FB0] =	sst s5  }
0xe: {  	[smem:$0x3FB1] =	sst s6  }
0xf: {  	[smem:$0x3FB2] =	sst s7  }
0x10: {  	[smem:$0x3FB3] =	sst s8  }
0x11: {  	[smem:$0x3FB4] =	sst s9;
	s0 =	simm.s32 @!p0 $0x0  }
0x12: {  	s1 =	sld [smem:$0x3F9A];
	s0 =	simm.s32 @p0 $0x1  }
0x13: {  	[smem:$0x3FB5] =	sst s0;
	s0 =	simm.s32 @!p1 $0x0  }
0x14: {  	s2 =	sld [smem:$0x3F99];
	s0 =	simm.s32 @p1 $0x1  }
0x15: {  	[smem:$0x3FB6] =	sst s0;
	s0 =	simm.s32 @!p2 $0x0  }
0x16: {  	s3 =	sld [smem:$0x3FDB];
	s0 =	simm.s32 @p2 $0x1  }
0x17: {  	s4 =	simm.s32 $0x1BF5;
	[smem:$0x3FB8] =	sst s0  }
0x18: {  	s0 =	sld [smem:$0x3F9B];
	_ =	swait.ge [sflag:s4], $0x0  }
0x19: {  	s7 =	sld [smem:$0x3F9C]  }
0x1a: {  	s8 =	sadd.s32 $0xFFFFE003, lr  }
0x1b: {  	s9 =	sadd.s32 $0xFFFFFEF7, lr;
	s5 =	simm.s32 $0xFFFFFFFF;
	p2 =	slt.u32 s8, $0xFFFFF086  }
0x1c: {  	p1 =	slt.u32 s9, $0xF7A;
	s5 =	simm.s32 @!p2 $0x0  }
0x1d: {  	s5 =	simm.s32 @p1 $0x1;
	p0 =	seq.s32 s7, s2  }
0x1e: {  	s7 =	smul.u32 @!p0 $0xF7A, s2;
	p2 =	seq.s32 @!p0 s5, $0x0  }
0x1f: {  	s9 =	smul.u32 $0xF7A, s1;
	s8 =	simm.s32 @!p0 $0x1BF5;
	p2 =	por !p2, p0  }
0x20: {  	[sflag:s8] =	ssyncset.s32 @!p0 $0xFFFFF086;
	s6 =	sadd.s32 @!p0 s3, s7;
	s7 =	simm.s32 @!p0 $0x108  }
0x21: {  	s3 =	sadd.s32 s3, s9;
	s6 =	sadd.s32 @!p0 $0x88, s6;
	s7 =	simm.s32 @p2 $0x1082  }
0x22: {  	[simem:s7], [sflag:s8] =	dma.local @!p0 [hbm:s6], $0xF7A  }
0x23: {  	s9 =	sor.u32 $0xD0000000, s2;
	s6 =	simm.s32 $0x108;
	_ =	swait.ge @!p0 [sflag:s8], $0x0  }
0x24: {  	s3 =	sadd.s32 $0x88, s3;
	s6 =	simm.s32 @!p1 $0x1082;
	[sflag:s4] =	ssyncset.s32 $0xFFFFF086  }
0x25: {  	[simem:s6], [sflag:s4] =	dma.local [hbm:s3], $0xF7A  }
0x26: {  	[smem:$0x3F9C] =	sst s1;
	(tag) =	ssettag s2;
	_ =	strace s9  }
0x27: {  	s1 =	sld [smem:$0x3FAC]  }
0x28: {  	s2 =	sld [smem:$0x3FAD]  }
0x29: {  	s4 =	sld [smem:$0x3FAF]  }
0x2a: {  	p0 =	seq.s32 s5, $0x0;
	s5 =	sld [smem:$0x3FB0]  }
0x2b: {  	s6 =	sld [smem:$0x3FB1]  }
0x2c: {  	s7 =	sld [smem:$0x3FB2]  }
0x2d: {  	s3 =	simm.s32 $0x108;
	s8 =	sld [smem:$0x3FB3]  }
0x2e: {  	s3 =	simm.s32 @!p0 $0x1082;
	s9 =	sld [smem:$0x3FB4]  }
0x2f: {  	lr =	sadd.s32 s0, s3;
	s0 =	sld [smem:$0x3FAB]  }
0x30: {  	s3 =	sld [smem:$0x3FAE]  }
0x31: {  	[smem:$0x3FB7] =	sst s10  }
0x32: {  	s10 =	sld [smem:$0x3FB5];
	_ =	sdelay $0x3  }
0x33: {  	p0 =	seq.s32 s10, $0x1;
	s10 =	sld [smem:$0x3FB7];
	_ =	sdelay $0x3  }
0x34: {  	[smem:$0x3FB7] =	sst s10  }
0x35: {  	s10 =	sld [smem:$0x3FB6];
	_ =	sdelay $0x3  }
0x36: {  	p1 =	seq.s32 s10, $0x1;
	s10 =	sld [smem:$0x3FB7];
	_ =	sdelay $0x3  }
0x37: {  	[smem:$0x3FB7] =	sst s10  }
0x38: {  	s10 =	sld [smem:$0x3FB8]  }
0x39: {  	_ = 	snop;
	(pc) =	sbr.ind lr, $3  }
0x3a: {  	_ = 	snop  }
0x3b: {  	_ = 	snop  }
0x3c: {  	p2 =	seq.s32 s10, $0x1;
	s10 =	sld [smem:$0x3FB7]  }
0x3d: {  	_ =	shalt  }
0x3e: {  	_ =	shalt  }
0x3f: {  	_ =	shalt  }
0x40: {  	_ =	shalt  }
0x41: {  	_ =	shalt  }
0x42: {  	_ =	shalt  }
0x43: {  	_ =	shalt  }
0x44: {  	_ =	shalt  }
0x45: {  	_ =	shalt  }
0x46: {  	_ =	shalt  }
0x47: {  	_ =	shalt  }
0x48: {  	_ =	shalt  }
0x49: {  	_ =	shalt  }
0x4a: {  	_ =	shalt  }
0x4b: {  	_ =	shalt  }
0x4c: {  	_ =	shalt  }
0x4d: {  	_ =	shalt  }
0x4e: {  	_ =	shalt  }
0x4f: {  	_ =	shalt  }
0x50: {  	_ =	shalt  }
0x51: {  	_ =	shalt  }
0x52: {  	_ =	shalt  }
0x53: {  	_ =	shalt  }
0x54: {  	_ =	shalt  }
0x55: {  	_ =	shalt  }
0x56: {  	_ =	shalt  }
0x57: {  	_ =	shalt  }
0x58: {  	_ =	shalt  }
0x59: {  	_ =	shalt  }
0x5a: {  	_ =	shalt  }
0x5b: {  	_ =	shalt  }
0x5c: {  	_ =	shalt  }
0x5d: {  	_ =	shalt  }
0x5e: {  	_ =	shalt  }
0x5f: {  	_ =	shalt  }
0x60: {  	_ =	shalt  }
0x61: {  	_ =	shalt  }
0x62: {  	_ =	shalt  }
0x63: {  	_ =	shalt  }
0x64: {  	_ =	shalt  }
0x65: {  	_ =	shalt  }
0x66: {  	_ =	shalt  }
0x67: {  	_ =	shalt  }
0x68: {  	_ =	shalt  }
0x69: {  	_ =	shalt  }
0x6a: {  	_ =	shalt  }
0x6b: {  	_ =	shalt  }
0x6c: {  	_ =	shalt  }
0x6d: {  	_ =	shalt  }
0x6e: {  	_ =	shalt  }
0x6f: {  	_ =	shalt  }
0x70: {  	_ =	shalt  }
0x71: {  	_ =	shalt  }
0x72: {  	_ =	shalt  }
0x73: {  	_ =	shalt  }
0x74: {  	_ =	shalt  }
0x75: {  	_ =	shalt  }
0x76: {  	_ =	shalt  }
0x77: {  	_ =	shalt  }
0x78: {  	_ =	shalt  }
0x79: {  	_ =	shalt  }
0x7a: {  	_ =	shalt  }
0x7b: {  	_ =	shalt  }
0x7c: {  	_ =	shalt  }
0x7d: {  	_ =	shalt  }
0x7e: {  	_ =	shalt  }
0x7f: {  	_ =	shalt  }
0x80: {  	_ =	shalt  }
0x81: {  	_ =	shalt  }
0x82: {  	_ =	shalt  }
0x83: {  	_ =	shalt  }
0x84: {  	_ =	shalt  }
0x85: {  	_ =	shalt  }
0x86: {  	_ =	shalt  }
0x87: {  	_ =	shalt  }
.Lfunc_end0:
.L_simem_size_0:
called_computation_lowered:
.L_overlay_start_0:
0x88: {  	s2 =	sld [smem:$0x3FD9]  }
0x89: {  	s3 =	sld [smem:$0x3FFE];
	_ =	sdelay $0x1  }
0x8a: {  	s1 =	srdreg.scid  }
0x8b: {  	s0 =	sand.u32 $0x1, s1  }
0x8c: {  	s17 =	sshll.u32 s0, $0xA;
	s2 =	sadd.s32 s3, s2  }
0x8d: {  	s2 =	sadd.s32 s2, s17  }
0x8e: {  	[smem:$0x3FC3] =	sst s2  }
0x8f: {  	_ = 	snop  }
0x90: {  	s2 =	sld [smem:$0x3FD0];
	(tm) =	ssettm $0x1  }
0x91: {  	s18 =	sld [smem:$0x3FFB];
	_ =	sdelay $0x3  }
0x92: {  	_ =	strace s18  }
0x93: {  	s3 =	sld [smem:$0x3FFC];
	_ =	sdelay $0x3  }
0x94: {  	_ =	strace s3  }
0x95: {  	s3 =	sld [smem:$0x3FFD];
	_ =	sdelay $0x3  }
0x96: {  	_ =	strace s3  }
0x97: {  	_ =	strace $0x8FFFFFFF  }
0x98: {  	s19 =	sld [smem:$0x3FDB];
	_ =	sdelay $0x1  }
0x99: {  	s4 =	simm.s32 $_scs_section_size  }
0x9a: {  	s5 =	simm.s32 $_size__tile_overlayer_lowered;
	s6 =	simm.s32 $_tile_overlayer_lowered  }
0x9b: {  	s22 =	simm.s32 $0x1BFF;
	s21 =	sshll.u32 s6, $0x1;
	s3 =	sadd.s32 s4, s19  }
0x9c: {  	s7 =	simm.s32 $0x0;
	s20 =	sshll.u32 s5, $0x1;
	s5 =	sadd.s32 s21, s3  }
0x9d: {  	[timem:s7], [sflag:s22] =	dma.local [hbm:s5], s20  }
0x9e: {  	_ =	swait.ge [sflag:s22], s20  }
0x9f: {  	s4 =	ssub.s32 $0x0, s20;
	[sflag:s22] =	ssyncset.done $0x0  }
0xa0: {  	[sflag:s22] =	ssyncadd.s32 s4;
	_ =	sdelay $0x1  }
0xa1: {  	s23 =	simm.s32 $0x1B8B  }
0xa2: {  	_ =	swait.ge [sflag:s23], $0x1  }
0xa3: {  	[sflag:s23] =	ssyncset.done $0x0  }
0xa4: {  	s25 =	simm.s32 $0x1B8E;
	s24 =	sld [smem:$0x3FFE];
	[sflag:s23] =	ssyncadd.s32 $0xFFFFFFFF  }
0xa5: {  	s26 =	simm.s32 $execute0_lowered;
	[smem:$0x3FD2] =	sst s25  }
0xa6: {  	s5 =	sshll.u32 s26, $0x1;
	_ =	strace $0x80000046;
	[dreg:$0x1] =	wrdreg $0xFFFFFFFF  }
0xa7: {  	s28 =	simm.s32 $_size_execute0_lowered;
	s3 =	sadd.s32 s3, s5;
	[dreg:$0x0] =	wrdreg $0x0  }
0xa8: {  	s5 =	sshll.u32 s28, $0x1;
	[dreg:$0x2] =	wrdreg s3  }
0xa9: {  	[dreg:$0x3] =	wrdreg s5  }
0xaa: {  	[dreg:$0x4] =	wrdreg $0xC0  }
0xab: {  	_ =	task [dreg:s7], $0x5FFFF  }
0xac: {  	[dreg:$0x1] =	wrdreg $0xFFFFFFFF  }
0xad: {  	[dreg:$0x0] =	wrdreg $0x60  }
0xae: {  	[dreg:$0x2] =	wrdreg s24  }
0xaf: {  	[dreg:$0x3] =	wrdreg s2  }
0xb0: {  	[dreg:$0x4] =	wrdreg $0x9  }
0xb1: {  	_ =	task.clear_ibuf [dreg:s7], $0x5FFFF;
	_ =	strace $0x90000046  }
0xb2: {  	s29 =	simm.s32 $0x9;
	_ =	strace $0x80000048  }
0xb3: {  	_ =	swait.ge [sflag:s29], $0x1  }
0xb4: {  	[sflag:s29] =	ssyncadd.s32 $0xFFFFFFFF  }
0xb5: {  	_ =	strace $0x90000048  }
0xb6: {  	_ =	sfence  }
0xb7: {  	s30 =	sld [smem:$0x0];
	_ =	sdelay $0x2  }
0xb8: {  	s31 =	sshll.u32 s1, $0xD;
	s1 =	sshrl.u32 s1, $0x2  }
0xb9: {  	s3 =	sand.u32 $0x4000, s31;
	s1 =	sadd.s32 s1, s30  }
0xba: {  	s0 =	sor.u32 s3, s0;
	s1 =	sshll.u32 s1, $0x11  }
0xbb: {  	s0 =	sor.u32 s1, s0  }
0xbc: {  	s0 =	sadd.s32 $0x8F2B, s0  }
0xbd: {  	[sflag:s0] =	ssyncadd.remote.s32 $0x1  }
0xbe: {  	_ =	sfence.sel $0xFFFF  }
0xbf: {  	[dreg:$0x0] =	wrdreg $0xFFFFFFFF;
	(pc) =	sbr.abs _section_cstart, $3  }
0xc0: {  	[dreg:$0x1] =	wrdreg $0xFFFFFFFF  }
0xc1: {  	_ =	task.clear_ibuf [dreg:s7], $0x2FFFF;
	_ =	strace $0x9FFFFFFF  }
0xc2: {  	(tm) =	ssettm $0x7FFFFFFF  }
0xc3: {  	_ =	shalt  }
tec
execute0_lowered:
.L_overlay_start_1:
0x0: {  	(tag) =	ssettag $0x1  }
0x1: {  	s1 =	srdreg.scid;
	s5 =	rddreg [dreg:$0x0]  }
0x2: {  	s0 =	stileid.u32;
	s8 =	rddreg [dreg:$0x1]  }
0x3: {  	s2 =	simm.s32 $0x0;
	s12 =	simm.s32 $0x10;
	s13 =	simm.s32 $0x80  }
0x4: {  	s14 =	simm.s32 $0xC560;
	s15 =	simm.s32 $0x7720;
	s16 =	simm.s32 $0x0  }
0x5: {  	s6 =	sand.u32 $0x1, s1;
	s31 =	sshll.u32 s0, $0x1;
	s1 =	rddreg [dreg:$0x2]  }
0x6: {  	[smem:$0x7FF] =	sst s2;
	s7 =	sor.u32 s6, s31;
	s6 =	ssub.s32 $0x2, s6  }
0x7: {  	s4 =	sadd.s32 $0xE00, s5;
	s3 =	smul.u32 $0x272, s7;
	s10 =	sshrl.u32 s6, $0x1  }
0x8: {  	_ =	strace $0x80000047;
	s11 =	smul.u32 $0x9C8, s7;
	s10 =	ssub.s32 s6, s10  }
0x9: {  	s9 =	sadd.s32 s3, s5;
	s3 =	sadd.s32 $0x1400, s5;
	s5 =	sadd.s32 $0xC00, s5  }
0xa: {  	v0 =	vlaneseq.u32;
	s8 =	sadd.s32 s8, s11;
	s11 =	simm.s32 $0x2800;
	s6 =	sadd.s32 $0x6A00, s9  }
0xb: {  	v0 =	vmul.u32 $0x4, v0;
	s7 =	sadd.s32 $0x1A00, s9;
	s9 =	smax.u32 s10, $0x1;
	s10 =	simm.s32 $0x1  }
.LBB2_1:
0xc: {  	[tilespmem:s2], [sflag:$0x1] =	stream.linear.gather [hbm4b:s3+s2], $0x2800, $0x38;
	[tilespmem:$0xC580] =	vst v63  }
0xd: {  	_ =	swait.ge [sflag:s10], $0x2800  }
0xe: {  	[sflag:s10] =	ssyncset.done $0x0  }
0xf: {  	[sflag:s10] =	ssyncadd.s32 $0xFFFFD800  }
0x10: {  	[tilespmem:s11], [sflag:$0x1] =	stream.linear.gather [hbm4b:s4+s2], $0x2800, $0x38;
	[tilespmem:$0xC580] =	vst v63  }
0x11: {  	_ =	swait.ge [sflag:s10], $0x2800  }
0x12: {  	[sflag:s10] =	ssyncset.done $0x0  }
0x13: {  	s17 =	simm.s32 $0x5000;
	[sflag:s10] =	ssyncadd.s32 $0xFFFFD800  }
0x14: {  	[tilespmem:s17], [sflag:$0x1] =	stream.linear.gather [hbm4b:s6+s2], $0x1390, $0x38;
	[tilespmem:$0xC580] =	vst v63  }
0x15: {  	_ =	swait.ge [sflag:s10], $0x1390  }
0x16: {  	[sflag:s10] =	ssyncset.done $0x0  }
0x17: {  	s18 =	simm.s32 $0x6390;
	[sflag:s10] =	ssyncadd.s32 $0xFFFFEC70  }
0x18: {  	[tilespmem:s18], [sflag:$0x1] =	stream.linear.gather [hbm4b:s7+s2], $0x1390, $0x38;
	[tilespmem:$0xC580] =	vst v63  }
0x19: {  	_ =	swait.ge [sflag:s10], $0x1390  }
0x1a: {  	[sflag:s10] =	ssyncset.done $0x0  }
0x1b: {  	[sflag:s10] =	ssyncadd.s32 $0xFFFFEC70  }
0x1c: {  	[tilespmem:s14], [sflag:$0x1] =	stream.strided.gather [hbm4b:s5+s12], $0x20, s13, s12, $0x38;
	[tilespmem:$0xC580] =	vst v63  }
0x1d: {  	_ =	swait.ge [sflag:s10], $0x20  }
0x1e: {  	[sflag:s10] =	ssyncset.done $0x0  }
0x1f: {  	[sflag:s10] =	ssyncadd.s32 $0xFFFFFFE0  }
0x20: {  	v2 =	vld [tilespmem:s17+$0x0]  }
0x21: {  	v3 =	vld [tilespmem:s18+$0x0];
	_ =	sdelay $0x4  }
0x22: {  	v1 =	vld [tilespmem:$0xC560]  }
0x23: {  	v4 =	vld [tilespmem:$0xC570]  }
0x24: {  	v5 =	vld.idx.msk [tilespmem:v2+s2+$0x0], $0xffff  }
0x25: {  	v6 =	vld.idx.msk [tilespmem:v3+s11+$0x0], $0xffff;
	_ =	sdelay $0x4  }
0x26: {  	v1 =	vadd.f32 v4, v1;
	v4 =	vadd.f32 v6, v5;
	_ =	sdelay $0x1  }
0x27: {  	v5 =	vmul.f32 $2.000000030e-01, v1;
	v6 =	vmul.f32 $2.000000030e-01, v4  }
0x28: {  	vm0 =	vgt.f32 v1, $0.0e+00;
	vm1 =	vgt.f32 v4, $0.0e+00  }
0x29: {  	v1 =	vsel vm0, v1, v5;
	v4 =	vsel vm1, v4, v6  }
0x2a: {  	v4 =	vsub.f32 v4, v1;
	_ =	sdelay $0x1  }
0x2b: {  	v4 =	vmul.f32 $1.442695020e+00, v4;
	_ =	sdelay $0x1  }
0x2c: {  	(erf) = vpow2.f32 v4;
	v4 =	vmov s2  }
0x2d: {  	v4 =	vshll.u32 v4, $0x2  }
0x2e: {  	v4 =	vor.u32 v0, v4;
	_ =	sdelay $0x3  }
0x2f: {  	v5 =	vor.u32 $0x1, v4  }
0x30: {  	[tilespmem:v4+s15+$0x0] =	vst.idx.msk $0xffff, v2;
	v2 =	vor.u32 $0x2, v4;
	_ =	sdelay $0x3  }
0x31: {  	s19 =	simm.s32 $0x10;
	[tilespmem:v5+s15+$0x0] =	vst.idx.msk $0xffff, v3;
	v3 =	vpop (erf)  }
.LBB2_2:
0x32: {  	p0 =	sne.s32 s19, $0x1380;
	[tilespmem:v2+s15+$0x0] =	vst.idx.msk $0xffff, v3;
	s17 =	sadd.s32 $0x10, s17;
	s18 =	sadd.s32 $0x10, s18  }
0x33: {  	s20 =	smov.u32 s19;
	s19 =	sadd.s32 $0x10, s19;
	v2 =	vld [tilespmem:s17+$0x0]  }
0x34: {  	v3 =	vld [tilespmem:s18+$0x0];
	_ =	sdelay $0x1  }
0x35: {  	v4 =	vmov s20  }
0x36: {  	v4 =	vshll.u32 v4, $0x2  }
0x37: {  	v4 =	vor.u32 v0, v4  }
0x38: {  	v5 =	vor.u32 $0x1, v4;
	_ =	sdelay $0x1  }
0x39: {  	v6 =	vld.idx.msk [tilespmem:v2+s2+$0x0], $0xffff  }
0x3a: {  	v7 =	vld.idx.msk [tilespmem:v3+s11+$0x0], $0xffff  }
0x3b: {  	[tilespmem:v4+s15+$0x0] =	vst.idx.msk $0xffff, v2  }
0x3c: {  	[tilespmem:v5+s15+$0x0] =	vst.idx.msk $0xffff, v3;
	_ =	sdelay $0x3  }
0x3d: {  	v2 =	vadd.f32 v7, v6;
	_ =	sdelay $0x1  }
0x3e: {  	v3 =	vmul.f32 $2.000000030e-01, v2  }
0x3f: {  	vm0 =	vgt.f32 v2, $0.0e+00  }
0x40: {  	v2 =	vsel vm0, v2, v3  }
0x41: {  	v2 =	vsub.f32 v2, v1;
	_ =	sdelay $0x1  }
0x42: {  	v2 =	vmul.f32 $1.442695020e+00, v2;
	_ =	sdelay $0x1  }
0x43: {  	(erf) = vpow2.f32 v2;
	_ =	sdelay $0x4  }
.Ltmp0:
0x44: {  	v2 =	vor.u32 $0x2, v4;
	(pc) =	sbr.rel @p0 .LBB2_2-.Ltmp0, $2  }
0x45: {  	_ =	sdelay $0x2  }
0x46: {  	v3 =	vpop (erf)  }
0x47: {  	_ =	sdelay $0x1  }
0x48: {  	s16 =	sadd.s32 $0x1, s16  }
0x49: {  	p0 =	sne.s32 s16, s9  }
.Ltmp1:
0x4a: {  	[tilespmem:v2+s15+$0x0] =	vst.idx.msk $0xffff, v3;
	(pc) =	sbr.rel @p0 .LBB2_1-.Ltmp1, $4  }
0x4b: {  	[hbm4b:s8+s2] =	stream.linear.scatter [tilespmem:s15], [sflag:$0x1], $0x4E40, $0x38;
	[tilespmem:$0xC580] =	vst v63  }
0x4c: {  	_ =	swait.ge [sflag:s10], $0x4E40  }
0x4d: {  	[sflag:s10] =	ssyncset.done $0x0  }
0x4e: {  	[sflag:s10] =	ssyncadd.s32 $0xFFFFB1C0  }
0x4f: {  	_ =	sfence.sel $0x180000  }
0x50: {  	[bflag:$0x0] =	sbarrier.arrive $0xFFFF  }
0x51: {  	p0 =	sne.s32 s0, $0x0;
	_ =	strace $0x90000047  }
0x52: {  	s0 =	sadd.s32 @!p0 $0x100000, s1;
	[bflag:$0x2] =	sbarrier.arrive $0xFFFF  }
0x53: {  	[sflag:s0] =	ssyncadd.tile.s32 @!p0 $0x1;
	_ =	shalt  }
.Lfunc_end2:
_tile_overlayer_lowered:
.L_overlay_start_2:
0x54: {  	(tag) =	ssettag $0x2  }
0x55: {  	s0 =	rddreg [dreg:$0x0];
	s2 =	stileid.u32  }
0x56: {  	s1 =	rddreg [dreg:$0x1];
	p0 =	sne.s32 s2, $0x0  }
0x57: {  	s3 =	rddreg [dreg:$0x2];
	[bflag:$0x3] =	sbarrier.arrive $0xFFFF;
	s2 =	simm.s32 @!p0 $0x1C01  }
0x58: {  	[timem:s3], [sflag:s2] =	dma.local @!p0 [hbm:s0], s1  }
0x59: {  	s0 =	simm.s32 @!p0 $0x1  }
0x5a: {  	_ =	swait.ge @!p0 [sflag:s0], s1  }
0x5b: {  	s1 =	ssub.s32 @!p0 $0x0, s1;
	[sflag:s0] =	ssyncset.done @!p0 $0x0  }
0x5c: {  	[sflag:s0] =	ssyncadd.s32 @!p0 s1  }
0x5d: {  	[bflag:$0x3] =	sbarrier.arrive $0xFFFF  }
0x5e: {  	_ =	shalt  }

// kernel: kernel.9.cloned.1.call-start
scs
__scs_entry_jumppad:
0x0: {  	(pc) =	sbr.rel $0x88, $3  }
0x1: {  	(tag) =	ssettag $0x0;
	lr =	simm.s32 $0x1  }
0x2: {  	[smem:$0x3F9C] =	sst lr;
	_ =	strace $0xD0000000  }
0x3: {  	_ = 	snop  }
0x4: {  	_ = 	snop  }
0x5: {  	_ = 	snop  }
0x6: {  	_ = 	snop  }
0x7: {  	_ = 	snop  }
__scs_overlays_trampoline_lowered:
0x8: {  	[smem:$0x3FAB] =	sst s0  }
0x9: {  	[smem:$0x3FAC] =	sst s1  }
0xa: {  	[smem:$0x3FAD] =	sst s2  }
0xb: {  	[smem:$0x3FAE] =	sst s3  }
0xc: {  	[smem:$0x3FAF] =	sst s4  }
0xd: {  	[smem:$0x3FB0] =	sst s5  }
0xe: {  	[smem:$0x3FB1] =	sst s6  }
0xf: {  	[smem:$0x3FB2] =	sst s7  }
0x10: {  	[smem:$0x3FB3] =	sst s8  }
0x11: {  	[smem:$0x3FB4] =	sst s9;
	s0 =	simm.s32 @!p0 $0x0  }
0x12: {  	s1 =	sld [smem:$0x3F9A];
	s0 =	simm.s32 @p0 $0x1  }
0x13: {  	[smem:$0x3FB5] =	sst s0;
	s0 =	simm.s32 @!p1 $0x0  }
0x14: {  	s2 =	sld [smem:$0x3F99];
	s0 =	simm.s32 @p1 $0x1  }
0x15: {  	[smem:$0x3FB6] =	sst s0;
	s0 =	simm.s32 @!p2 $0x0  }
0x16: {  	s3 =	sld [smem:$0x3FDB];
	s0 =	simm.s32 @p2 $0x1  }
0x17: {  	s4 =	simm.s32 $0x1BF5;
	[smem:$0x3FB8] =	sst s0  }
0x18: {  	s0 =	sld [smem:$0x3F9B];
	_ =	swait.ge [sflag:s4], $0x0  }
0x19: {  	s7 =	sld [smem:$0x3F9C]  }
0x1a: {  	s8 =	sadd.s32 $0xFFFFE003, lr  }
0x1b: {  	s9 =	sadd.s32 $0xFFFFFEF7, lr;
	s5 =	simm.s32 $0xFFFFFFFF;
	p2 =	slt.u32 s8, $0xFFFFF086  }
0x1c: {  	p1 =	slt.u32 s9, $0xF7A;
	s5 =	simm.s32 @!p2 $0x0  }
0x1d: {  	s5 =	simm.s32 @p1 $0x1;
	p0 =	seq.s32 s7, s2  }
0x1e: {  	s7 =	smul.u32 @!p0 $0xF7A, s2;
	p2 =	seq.s32 @!p0 s5, $0x0  }
0x1f: {  	s9 =	smul.u32 $0xF7A, s1;
	s8 =	simm.s32 @!p0 $0x1BF5;
	p2 =	por !p2, p0  }
0x20: {  	[sflag:s8] =	ssyncset.s32 @!p0 $0xFFFFF086;
	s6 =	sadd.s32 @!p0 s3, s7;
	s7 =	simm.s32 @!p0 $0x108  }
0x21: {  	s3 =	sadd.s32 s3, s9;
	s6 =	sadd.s32 @!p0 $0x88, s6;
	s7 =	simm.s32 @p2 $0x1082  }
0x22: {  	[simem:s7], [sflag:s8] =	dma.local @!p0 [hbm:s6], $0xF7A  }
0x23: {  	s9 =	sor.u32 $0xD0000000, s2;
	s6 =	simm.s32 $0x108;
	_ =	swait.ge @!p0 [sflag:s8], $0x0  }
0x24: {  	s3 =	sadd.s32 $0x88, s3;
	s6 =	simm.s32 @!p1 $0x1082;
	[sflag:s4] =	ssyncset.s32 $0xFFFFF086  }
0x25: {  	[simem:s6], [sflag:s4] =	dma.local [hbm:s3], $0xF7A  }
0x26: {  	[smem:$0x3F9C] =	sst s1;
	(tag) =	ssettag s2;
	_ =	strace s9  }
0x27: {  	s1 =	sld [smem:$0x3FAC]  }
0x28: {  	s2 =	sld [smem:$0x3FAD]  }
0x29: {  	s4 =	sld [smem:$0x3FAF]  }
0x2a: {  	p0 =	seq.s32 s5, $0x0;
	s5 =	sld [smem:$0x3FB0]  }
0x2b: {  	s6 =	sld [smem:$0x3FB1]  }
0x2c: {  	s7 =	sld [smem:$0x3FB2]  }
0x2d: {  	s3 =	simm.s32 $0x108;
	s8 =	sld [smem:$0x3FB3]  }
0x2e: {  	s3 =	simm.s32 @!p0 $0x1082;
	s9 =	sld [smem:$0x3FB4]  }
0x2f: {  	lr =	sadd.s32 s0, s3;
	s0 =	sld [smem:$0x3FAB]  }
0x30: {  	s3 =	sld [smem:$0x3FAE]  }
0x31: {  	[smem:$0x3FB7] =	sst s10  }
0x32: {  	s10 =	sld [smem:$0x3FB5];
	_ =	sdelay $0x3  }
0x33: {  	p0 =	seq.s32 s10, $0x1;
	s10 =	sld [smem:$0x3FB7];
	_ =	sdelay $0x3  }
0x34: {  	[smem:$0x3FB7] =	sst s10  }
0x35: {  	s10 =	sld [smem:$0x3FB6];
	_ =	sdelay $0x3  }
0x36: {  	p1 =	seq.s32 s10, $0x1;
	s10 =	sld [smem:$0x3FB7];
	_ =	sdelay $0x3  }
0x37: {  	[smem:$0x3FB7] =	sst s10  }
0x38: {  	s10 =	sld [smem:$0x3FB8]  }
0x39: {  	_ = 	snop;
	(pc) =	sbr.ind lr, $3  }
0x3a: {  	_ = 	snop  }
0x3b: {  	_ = 	snop  }
0x3c: {  	p2 =	seq.s32 s10, $0x1;
	s10 =	sld [smem:$0x3FB7]  }
0x3d: {  	_ =	shalt  }
0x3e: {  	_ =	shalt  }
0x3f: {  	_ =	shalt  }
0x40: {  	_ =	shalt  }
0x41: {  	_ =	shalt  }
0x42: {  	_ =	shalt  }
0x43: {  	_ =	shalt  }
0x44: {  	_ =	shalt  }
0x45: {  	_ =	shalt  }
0x46: {  	_ =	shalt  }
0x47: {  	_ =	shalt  }
0x48: {  	_ =	shalt  }
0x49: {  	_ =	shalt  }
0x4a: {  	_ =	shalt  }
0x4b: {  	_ =	shalt  }
0x4c: {  	_ =	shalt  }
0x4d: {  	_ =	shalt  }
0x4e: {  	_ =	shalt  }
0x4f: {  	_ =	shalt  }
0x50: {  	_ =	shalt  }
0x51: {  	_ =	shalt  }
0x52: {  	_ =	shalt  }
0x53: {  	_ =	shalt  }
0x54: {  	_ =	shalt  }
0x55: {  	_ =	shalt  }
0x56: {  	_ =	shalt  }
0x57: {  	_ =	shalt  }
0x58: {  	_ =	shalt  }
0x59: {  	_ =	shalt  }
0x5a: {  	_ =	shalt  }
0x5b: {  	_ =	shalt  }
0x5c: {  	_ =	shalt  }
0x5d: {  	_ =	shalt  }
0x5e: {  	_ =	shalt  }
0x5f: {  	_ =	shalt  }
0x60: {  	_ =	shalt  }
0x61: {  	_ =	shalt  }
0x62: {  	_ =	shalt  }
0x63: {  	_ =	shalt  }
0x64: {  	_ =	shalt  }
0x65: {  	_ =	shalt  }
0x66: {  	_ =	shalt  }
0x67: {  	_ =	shalt  }
0x68: {  	_ =	shalt  }
0x69: {  	_ =	shalt  }
0x6a: {  	_ =	shalt  }
0x6b: {  	_ =	shalt  }
0x6c: {  	_ =	shalt  }
0x6d: {  	_ =	shalt  }
0x6e: {  	_ =	shalt  }
0x6f: {  	_ =	shalt  }
0x70: {  	_ =	shalt  }
0x71: {  	_ =	shalt  }
0x72: {  	_ =	shalt  }
0x73: {  	_ =	shalt  }
0x74: {  	_ =	shalt  }
0x75: {  	_ =	shalt  }
0x76: {  	_ =	shalt  }
0x77: {  	_ =	shalt  }
0x78: {  	_ =	shalt  }
0x79: {  	_ =	shalt  }
0x7a: {  	_ =	shalt  }
0x7b: {  	_ =	shalt  }
0x7c: {  	_ =	shalt  }
0x7d: {  	_ =	shalt  }
0x7e: {  	_ =	shalt  }
0x7f: {  	_ =	shalt  }
0x80: {  	_ =	shalt  }
0x81: {  	_ =	shalt  }
0x82: {  	_ =	shalt  }
0x83: {  	_ =	shalt  }
0x84: {  	_ =	shalt  }
0x85: {  	_ =	shalt  }
0x86: {  	_ =	shalt  }
0x87: {  	_ =	shalt  }
.Lfunc_end0:
.L_simem_size_0:
called_computation.1_lowered:
.L_overlay_start_0:
0x88: {  	s2 =	sld [smem:$0x3FD9]  }
0x89: {  	s3 =	sld [smem:$0x3FFE];
	_ =	sdelay $0x1  }
0x8a: {  	s1 =	srdreg.scid  }
0x8b: {  	s0 =	sand.u32 $0x1, s1  }
0x8c: {  	s17 =	sshll.u32 s0, $0xA;
	s2 =	sadd.s32 s3, s2  }
0x8d: {  	s2 =	sadd.s32 s2, s17  }
0x8e: {  	[smem:$0x3FC3] =	sst s2  }
0x8f: {  	_ = 	snop  }
0x90: {  	s2 =	sld [smem:$0x3FD0];
	(tm) =	ssettm $0x1  }
0x91: {  	s18 =	sld [smem:$0x3FFB];
	_ =	sdelay $0x3  }
0x92: {  	_ =	strace s18  }
0x93: {  	s3 =	sld [smem:$0x3FFC];
	_ =	sdelay $0x3  }
0x94: {  	_ =	strace s3  }
0x95: {  	s3 =	sld [smem:$0x3FFD];
	_ =	sdelay $0x3  }
0x96: {  	_ =	strace s3  }
0x97: {  	_ =	strace $0x8FFFFFFF  }
0x98: {  	s19 =	sld [smem:$0x3FDB];
	_ =	sdelay $0x1  }
0x99: {  	s4 =	simm.s32 $_scs_section_size  }
0x9a: {  	s5 =	simm.s32 $_size__tile_overlayer_lowered;
	s6 =	simm.s32 $_tile_overlayer_lowered  }
0x9b: {  	s22 =	simm.s32 $0x1BFF;
	s21 =	sshll.u32 s6, $0x1;
	s3 =	sadd.s32 s4, s19  }
0x9c: {  	s7 =	simm.s32 $0x0;
	s20 =	sshll.u32 s5, $0x1;
	s5 =	sadd.s32 s21, s3  }
0x9d: {  	[timem:s7], [sflag:s22] =	dma.local [hbm:s5], s20  }
0x9e: {  	_ =	swait.ge [sflag:s22], s20  }
0x9f: {  	s4 =	ssub.s32 $0x0, s20;
	[sflag:s22] =	ssyncset.done $0x0  }
0xa0: {  	[sflag:s22] =	ssyncadd.s32 s4;
	_ =	sdelay $0x1  }
0xa1: {  	s23 =	simm.s32 $0x1B8B  }
0xa2: {  	_ =	swait.ge [sflag:s23], $0x1  }
0xa3: {  	[sflag:s23] =	ssyncset.done $0x0  }
0xa4: {  	s25 =	simm.s32 $0x1B8E;
	s24 =	sld [smem:$0x3FFE];
	[sflag:s23] =	ssyncadd.s32 $0xFFFFFFFF  }
0xa5: {  	s26 =	simm.s32 $execute0_lowered;
	[smem:$0x3FD2] =	sst s25  }
0xa6: {  	s5 =	sshll.u32 s26, $0x1;
	_ =	strace $0x80000049;
	[dreg:$0x1] =	wrdreg $0xFFFFFFFF  }
0xa7: {  	s28 =	simm.s32 $_size_execute0_lowered;
	s3 =	sadd.s32 s3, s5;
	[dreg:$0x0] =	wrdreg $0x0  }
0xa8: {  	s5 =	sshll.u32 s28, $0x1;
	[dreg:$0x2] =	wrdreg s3  }
0xa9: {  	[dreg:$0x3] =	wrdreg s5  }
0xaa: {  	[dreg:$0x4] =	wrdreg $0xC0  }
0xab: {  	_ =	task [dreg:s7], $0x5FFFF  }
0xac: {  	[dreg:$0x1] =	wrdreg $0xFFFFFFFF  }
0xad: {  	[dreg:$0x0] =	wrdreg $0x60  }
0xae: {  	[dreg:$0x2] =	wrdreg s2  }
0xaf: {  	[dreg:$0x3] =	wrdreg s24  }
0xb0: {  	[dreg:$0x4] =	wrdreg $0xAE600  }
0xb1: {  	[dreg:$0x5] =	wrdreg $0x9  }
0xb2: {  	_ =	task.clear_ibuf [dreg:s7], $0x6FFFF;
	_ =	strace $0x90000049  }
0xb3: {  	s29 =	simm.s32 $0x9;
	_ =	strace $0x8000004B  }
0xb4: {  	_ =	swait.ge [sflag:s29], $0x1  }
0xb5: {  	[sflag:s29] =	ssyncadd.s32 $0xFFFFFFFF  }
0xb6: {  	_ =	strace $0x9000004B  }
0xb7: {  	_ =	sfence  }
0xb8: {  	s30 =	sld [smem:$0x0];
	_ =	sdelay $0x2  }
0xb9: {  	s31 =	sshll.u32 s1, $0xD;
	s1 =	sshrl.u32 s1, $0x2  }
0xba: {  	s3 =	sand.u32 $0x4000, s31;
	s1 =	sadd.s32 s1, s30  }
0xbb: {  	s0 =	sor.u32 s3, s0;
	s1 =	sshll.u32 s1, $0x11  }
0xbc: {  	s0 =	sor.u32 s1, s0  }
0xbd: {  	s0 =	sadd.s32 $0x8F2B, s0  }
0xbe: {  	[sflag:s0] =	ssyncadd.remote.s32 $0x1  }
0xbf: {  	_ =	sfence.sel $0xFFFF  }
0xc0: {  	[dreg:$0x0] =	wrdreg $0xFFFFFFFF;
	(pc) =	sbr.abs _section_cstart, $3  }
0xc1: {  	[dreg:$0x1] =	wrdreg $0xFFFFFFFF  }
0xc2: {  	_ =	task.clear_ibuf [dreg:s7], $0x2FFFF;
	_ =	strace $0x9FFFFFFF  }
0xc3: {  	(tm) =	ssettm $0x7FFFFFFF  }
tec
execute0_lowered:
.L_overlay_start_1:
0x0: {  	(tag) =	ssettag $0x1  }
0x1: {  	s1 =	rddreg [dreg:$0x0]  }
0x2: {  	s0 =	rddreg [dreg:$0x1]  }
0x3: {  	s2 =	rddreg [dreg:$0x2]  }
0x4: {  	s4 =	simm.s32 $0x0;
	s3 =	srdreg.scid;
	s9 =	stileid.u32  }
0x5: {  	s20 =	simm.s32 $0x1;
	s21 =	simm.s32 $0x50;
	s12 =	smul.u32 $0x2710, s9  }
0x6: {  	s24 =	simm.s32 $0x5;
	s25 =	simm.s32 $0x6;
	s10 =	smul.u32 $0x14C90, s9  }
0x7: {  	[smem:$0x7FF] =	sst s4;
	s3 =	sand.u32 $0x1, s3;
	s11 =	smul.u32 $0x9C40, s9  }
0x8: {  	s5 =	sadd.s32 $0xBA00, s0;
	s0 =	sadd.s32 $0x60A00, s0;
	s13 =	smul.u32 $0x1388, s9  }
0x9: {  	_ =	strace $0x8000004A;
	s6 =	ssub.s32 $0x2, s3;
	s14 =	smul.u32 $0x1388, s3  }
0xa: {  	s3 =	smul.u32 $0x14C900, s3;
	s7 =	sshrl.u32 s6, $0x1;
	s15 =	sadd.s32 $0x5500, s10  }
0xb: {  	s16 =	sadd.s32 $0xAA00, s10;
	s18 =	sadd.s32 $0xFF00, s10;
	s11 =	sshrl.u32 s11, $0x3  }
0xc: {  	v0 =	vlaneseq.u32;
	s12 =	sadd.s32 $0xA0, s12;
	s17 =	ssub.s32 s6, s7;
	s6 =	sadd.s32 s10, s2  }
0xd: {  	v0 =	vmul.u32 $0x4, v0;
	s7 =	sadd.s32 s15, s2;
	s8 =	sadd.s32 s16, s2;
	s9 =	sadd.s32 s18, s2  }
0xe: {  	v2 =	vimm.f32 $0.0e+00;
	s19 =	sadd.s32 s10, s3;
	s10 =	sadd.s32 s1, s13;
	s11 =	sadd.s32 s1, s11  }
0xf: {  	v3 =	vor.u32 $0x2, v0;
	v4 =	vor.u32 $0x1, v0;
	v5 =	vor.u32 $0x40, v0;
	s30 =	sadd.s32 s3, s15;
	s31 =	sadd.s32 s3, s16;
	s3 =	sadd.s32 s3, s18  }
0x10: {  	v6 =	vor.u32 $0x42, v0;
	v7 =	vor.u32 $0x41, v0;
	v8 =	vor.u32 $0x80, v0;
	s18 =	simm.s32 $0x460;
	s29 =	sshrl.u32 s19, $0x3;
	s11 =	sadd.s32 $0x28, s11  }
0x11: {  	v9 =	vor.u32 $0x82, v0;
	v10 =	vor.u32 $0x81, v0;
	v1 =	vmov s14;
	s14 =	sshrl.u32 s30, $0x3;
	s15 =	sshrl.u32 s31, $0x3;
	s3 =	sshrl.u32 s3, $0x3  }
0x12: {  	v11 =	vor.u32 $0xC0, v0;
	v12 =	vor.u32 $0xC2, v0;
	v13 =	vor.u32 $0xC1, v0;
	s17 =	smax.u32 s17, $0x1;
	s19 =	simm.s32 $0x7;
	s13 =	sadd.s32 s0, s29  }
0x13: {  	v14 =	vor.u32 $0x100, v0;
	v15 =	vor.u32 $0x102, v0;
	v16 =	vor.u32 $0x101, v0;
	s14 =	sadd.s32 s0, s14;
	s15 =	sadd.s32 s0, s15;
	s16 =	sadd.s32 s0, s3  }
.LBB2_1:
0x14: {  	s0 =	simm.s32 $0x0;
	s3 =	simm.s32 $0x440  }
.LBB2_2:
0x15: {  	p0 =	sne.s32 s3, $0x14FC0;
	[tilespmem:s0+$0x560] =	vst v2  }
0x16: {  	[tilespmem:s0+$0x460] =	vst v2  }
0x17: {  	[tilespmem:s0+$0x470] =	vst v2  }
0x18: {  	[tilespmem:s0+$0x480] =	vst v2  }
0x19: {  	[tilespmem:s0+$0x490] =	vst v2  }
0x1a: {  	[tilespmem:s0+$0x4A0] =	vst v2  }
0x1b: {  	[tilespmem:s0+$0x4B0] =	vst v2  }
0x1c: {  	[tilespmem:s0+$0x4C0] =	vst v2  }
0x1d: {  	[tilespmem:s0+$0x4D0] =	vst v2  }
0x1e: {  	[tilespmem:s0+$0x4E0] =	vst v2  }
0x1f: {  	[tilespmem:s0+$0x4F0] =	vst v2  }
0x20: {  	[tilespmem:s0+$0x500] =	vst v2  }
.Ltmp0:
0x21: {  	[tilespmem:s0+$0x510] =	vst v2;
	(pc) =	sbr.rel @p0 .LBB2_2-.Ltmp0, $4  }
0x22: {  	[tilespmem:s0+$0x520] =	vst v2  }
0x23: {  	[tilespmem:s0+$0x530] =	vst v2  }
0x24: {  	[tilespmem:s0+$0x540] =	vst v2  }
0x25: {  	[tilespmem:s0+$0x550] =	vst v2;
	s0 =	sshra.s32 s3, $0x2;
	s3 =	sadd.s32 $0x440, s3  }
0x26: {  	[tilespmem:s0+$0x560] =	vst v2  }
0x27: {  	[tilespmem:s0+$0x460] =	vst v2  }
0x28: {  	[tilespmem:s0+$0x470] =	vst v2  }
0x29: {  	[tilespmem:s0+$0x480] =	vst v2  }
0x2a: {  	[tilespmem:s0+$0x490] =	vst v2  }
0x2b: {  	[tilespmem:s0+$0x4A0] =	vst v2  }
0x2c: {  	[tilespmem:s0+$0x4B0] =	vst v2  }
0x2d: {  	[tilespmem:s0+$0x4C0] =	vst v2  }
0x2e: {  	[tilespmem:s0+$0x4D0] =	vst v2  }
0x2f: {  	[tilespmem:s0+$0x4E0] =	vst v2  }
0x30: {  	[tilespmem:s0+$0x4F0] =	vst v2  }
0x31: {  	[tilespmem:s0+$0x500] =	vst v2  }
0x32: {  	[tilespmem:s0+$0x510] =	vst v2  }
0x33: {  	[tilespmem:s0+$0x520] =	vst v2  }
0x34: {  	[tilespmem:s0+$0x530] =	vst v2  }
0x35: {  	[tilespmem:s0+$0x540] =	vst v2  }
0x36: {  	[tilespmem:s0+$0x550] =	vst v2  }
0x37: {  	[spmem:s6] =	stream.linear.scatter [tilespmem:s18], [sflag:$0x7], $0x5500, $0x38;
	[tilespmem:$0x1FAF0] =	vst v63  }
0x38: {  	_ =	swait.ge [sflag:s19], $0x5500  }
0x39: {  	[sflag:s19] =	ssyncset.done $0x0  }
0x3a: {  	[sflag:s19] =	ssyncadd.s32 $0xFFFFAB00  }
0x3b: {  	[spmem:s7] =	stream.linear.scatter [tilespmem:s18], [sflag:$0x7], $0x5500, $0x38;
	[tilespmem:$0x1FAF0] =	vst v63  }
0x3c: {  	_ =	swait.ge [sflag:s19], $0x5500  }
0x3d: {  	[sflag:s19] =	ssyncset.done $0x0  }
0x3e: {  	[sflag:s19] =	ssyncadd.s32 $0xFFFFAB00  }
0x3f: {  	[spmem:s8] =	stream.linear.scatter [tilespmem:s18], [sflag:$0x7], $0x5500, $0x38;
	[tilespmem:$0x1FAF0] =	vst v63  }
0x40: {  	_ =	swait.ge [sflag:s19], $0x5500  }
0x41: {  	[sflag:s19] =	ssyncset.done $0x0  }
0x42: {  	[sflag:s19] =	ssyncadd.s32 $0xFFFFAB00  }
0x43: {  	[spmem:s9] =	stream.linear.scatter [tilespmem:s18], [sflag:$0x7], $0x4D90, $0x38;
	[tilespmem:$0x1FAF0] =	vst v63  }
0x44: {  	_ =	swait.ge [sflag:s19], $0x4D90  }
0x45: {  	[sflag:s19] =	ssyncset.done $0x0  }
0x46: {  	[sflag:s19] =	ssyncadd.s32 $0xFFFFB270  }
0x47: {  	s26 =	simm.s32 $0x0;
	[bflag:$0x0] =	sbarrier.arrive $0xFFFF  }
0x48: {  	[tilespmem:s26], [sflag:$0x1] =	stream.linear.gather [hbm4b:s10+s26], $0x140, $0x38;
	[tilespmem:$0x1FAF0] =	vst v63  }
0x49: {  	_ =	swait.ge [sflag:s20], $0x140  }
0x4a: {  	[sflag:s20] =	ssyncset.done $0x0  }
0x4b: {  	[sflag:s20] =	ssyncadd.s32 $0xFFFFFEC0  }
0x4c: {  	v17 =	vld.idx.msk [tilespmem:v0+s26+$0x0], $0xffff;
	_ =	sdelay $0x4  }
0x4d: {  	[tilespmem:$0x280] =	vst v17  }
0x4e: {  	v17 =	vld.idx.msk [tilespmem:v3+s26+$0x0], $0xffff;
	_ =	sdelay $0x4  }
0x4f: {  	[tilespmem:$0x320] =	vst v17  }
0x50: {  	v17 =	vld.idx.msk [tilespmem:v4+s26+$0x0], $0xffff;
	_ =	sdelay $0x4  }
0x51: {  	v17 =	vsub.s32 v17, v1  }
0x52: {  	v17 =	vmin.u32 v17, $0x1388  }
0x53: {  	[tilespmem:$0x3C0] =	vst v17  }
0x54: {  	v17 =	vld.idx.msk [tilespmem:v5+s26+$0x0], $0xffff;
	_ =	sdelay $0x4  }
0x55: {  	[tilespmem:$0x290] =	vst v17  }
0x56: {  	v17 =	vld.idx.msk [tilespmem:v6+s26+$0x0], $0xffff;
	_ =	sdelay $0x4  }
0x57: {  	[tilespmem:$0x330] =	vst v17  }
0x58: {  	v17 =	vld.idx.msk [tilespmem:v7+s26+$0x0], $0xffff;
	_ =	sdelay $0x4  }
0x59: {  	v17 =	vsub.s32 v17, v1  }
0x5a: {  	v17 =	vmin.u32 v17, $0x1388  }
0x5b: {  	[tilespmem:$0x3D0] =	vst v17  }
0x5c: {  	v17 =	vld.idx.msk [tilespmem:v8+s26+$0x0], $0xffff;
	_ =	sdelay $0x4  }
0x5d: {  	[tilespmem:$0x2A0] =	vst v17  }
0x5e: {  	v17 =	vld.idx.msk [tilespmem:v9+s26+$0x0], $0xffff;
	_ =	sdelay $0x4  }
0x5f: {  	[tilespmem:$0x340] =	vst v17  }
0x60: {  	v17 =	vld.idx.msk [tilespmem:v10+s26+$0x0], $0xffff;
	_ =	sdelay $0x4  }
0x61: {  	v17 =	vsub.s32 v17, v1  }
0x62: {  	v17 =	vmin.u32 v17, $0x1388  }
0x63: {  	[tilespmem:$0x3E0] =	vst v17  }
0x64: {  	v17 =	vld.idx.msk [tilespmem:v11+s26+$0x0], $0xffff;
	_ =	sdelay $0x4  }
0x65: {  	[tilespmem:$0x2B0] =	vst v17  }
0x66: {  	v17 =	vld.idx.msk [tilespmem:v12+s26+$0x0], $0xffff;
	_ =	sdelay $0x4  }
0x67: {  	[tilespmem:$0x350] =	vst v17  }
0x68: {  	v17 =	vld.idx.msk [tilespmem:v13+s26+$0x0], $0xffff;
	_ =	sdelay $0x4  }
0x69: {  	v17 =	vsub.s32 v17, v1  }
0x6a: {  	v17 =	vmin.u32 v17, $0x1388  }
0x6b: {  	[tilespmem:$0x3F0] =	vst v17  }
0x6c: {  	v17 =	vld.idx.msk [tilespmem:v14+s26+$0x0], $0xffff;
	_ =	sdelay $0x4  }
0x6d: {  	[tilespmem:$0x2C0] =	vst v17  }
0x6e: {  	v17 =	vld.idx.msk [tilespmem:v15+s26+$0x0], $0xffff;
	_ =	sdelay $0x4  }
0x6f: {  	[tilespmem:$0x360] =	vst v17  }
0x70: {  	v17 =	vld.idx.msk [tilespmem:v16+s26+$0x0], $0xffff;
	_ =	sdelay $0x4  }
0x71: {  	v17 =	vsub.s32 v17, v1  }
0x72: {  	v17 =	vmin.u32 v17, $0x1388  }
0x73: {  	s30 =	simm.s32 $0x280;
	[tilespmem:$0x400] =	vst v17  }
0x74: {  	[tilespmem:s18], [sflag:$0x3] =	stream.indirect.gather [hbm4b:s5+s21], $0x110, s30, s21, $0xb8;
	[tilespmem:$0x1FAF0] =	vst v63  }
0x75: {  	s31 =	simm.s32 $0x140;
	p0 =	por $0x0, $0x0  }
0x76: {  	[tilespmem:s31], [sflag:$0x2] =	stream.linear.gather [hbm4b:s11+s26], $0x140, $0x38;
	[tilespmem:$0x1FAF0] =	vst v63  }
.LBB2_4:
0x77: {  	p1 =	seq.s32 s26, $0x7C  }
.Ltmp1:
0x78: {  	_ = 	snop;
	(pc) =	sbr.rel @p1 .LBB2_6-.Ltmp1, $2  }
0x79: {  	_ =	sdelay $0x2  }
0x7a: {  	s28 =	sand.u32 $0x1, s26  }
0x7b: {  	s0 =	sxor.u32 $0x1, s28  }
0x7c: {  	s3 =	sadd.s32 $0x1, s0  }
0x7d: {  	_ =	swait.ge [sflag:s3], $0x140  }
0x7e: {  	p1 =	seq.s32 s26, $0x0;
	[sflag:s3] =	ssyncset.done $0x0  }
0x7f: {  	[sflag:s3] =	ssyncadd.s32 $0xFFFFFEC0;
	s3 =	sadd.s32 @!p1 $0x5, s0  }
0x80: {  	s22 =	smul.u32 $0x500, s0;
	_ =	swait.ge @!p1 [sflag:s3], $0x5500  }
0x81: {  	[sflag:s3] =	ssyncset.done @!p1 $0x0  }
0x82: {  	s22 =	sshrl.u32 s22, $0x2;
	[sflag:s3] =	ssyncadd.s32 @!p1 $0xFFFFAB00  }
0x83: {  	v17 =	vld.idx.msk [tilespmem:v0+s22+$0x0], $0xffff;
	_ =	sdelay $0x2  }
0x84: {  	s23 =	smul.u32 $0x50, s0;
	_ =	sdelay $0x1  }
0x85: {  	[tilespmem:s23+$0x280] =	vst v17  }
0x86: {  	v17 =	vld.idx.msk [tilespmem:v3+s22+$0x0], $0xffff;
	_ =	sdelay $0x4  }
0x87: {  	[tilespmem:s23+$0x320] =	vst v17  }
0x88: {  	v17 =	vld.idx.msk [tilespmem:v4+s22+$0x0], $0xffff;
	_ =	sdelay $0x4  }
0x89: {  	v17 =	vsub.s32 v17, v1  }
0x8a: {  	v17 =	vmin.u32 v17, $0x1388  }
0x8b: {  	[tilespmem:s23+$0x3C0] =	vst v17  }
0x8c: {  	v17 =	vld.idx.msk [tilespmem:v5+s22+$0x0], $0xffff;
	_ =	sdelay $0x4  }
0x8d: {  	[tilespmem:s23+$0x290] =	vst v17  }
0x8e: {  	v17 =	vld.idx.msk [tilespmem:v6+s22+$0x0], $0xffff;
	_ =	sdelay $0x4  }
0x8f: {  	[tilespmem:s23+$0x330] =	vst v17  }
0x90: {  	v17 =	vld.idx.msk [tilespmem:v7+s22+$0x0], $0xffff;
	_ =	sdelay $0x4  }
0x91: {  	v17 =	vsub.s32 v17, v1  }
0x92: {  	v17 =	vmin.u32 v17, $0x1388  }
0x93: {  	[tilespmem:s23+$0x3D0] =	vst v17  }
0x94: {  	v17 =	vld.idx.msk [tilespmem:v8+s22+$0x0], $0xffff;
	_ =	sdelay $0x4  }
0x95: {  	[tilespmem:s23+$0x2A0] =	vst v17  }
0x96: {  	v17 =	vld.idx.msk [tilespmem:v9+s22+$0x0], $0xffff;
	_ =	sdelay $0x4  }
0x97: {  	[tilespmem:s23+$0x340] =	vst v17  }
0x98: {  	v17 =	vld.idx.msk [tilespmem:v10+s22+$0x0], $0xffff;
	_ =	sdelay $0x4  }
0x99: {  	v17 =	vsub.s32 v17, v1  }
0x9a: {  	v17 =	vmin.u32 v17, $0x1388  }
0x9b: {  	[tilespmem:s23+$0x3E0] =	vst v17  }
0x9c: {  	v17 =	vld.idx.msk [tilespmem:v11+s22+$0x0], $0xffff;
	_ =	sdelay $0x4  }
0x9d: {  	[tilespmem:s23+$0x2B0] =	vst v17  }
0x9e: {  	v17 =	vld.idx.msk [tilespmem:v12+s22+$0x0], $0xffff;
	_ =	sdelay $0x4  }
0x9f: {  	[tilespmem:s23+$0x350] =	vst v17  }
0xa0: {  	v17 =	vld.idx.msk [tilespmem:v13+s22+$0x0], $0xffff;
	_ =	sdelay $0x4  }
0xa1: {  	v17 =	vsub.s32 v17, v1  }
0xa2: {  	v17 =	vmin.u32 v17, $0x1388  }
0xa3: {  	[tilespmem:s23+$0x3F0] =	vst v17  }
0xa4: {  	v17 =	vld.idx.msk [tilespmem:v14+s22+$0x0], $0xffff;
	_ =	sdelay $0x4  }
0xa5: {  	[tilespmem:s23+$0x2C0] =	vst v17  }
0xa6: {  	v17 =	vld.idx.msk [tilespmem:v15+s22+$0x0], $0xffff;
	_ =	sdelay $0x4  }
0xa7: {  	[tilespmem:s23+$0x360] =	vst v17  }
0xa8: {  	v17 =	vld.idx.msk [tilespmem:v16+s22+$0x0], $0xffff;
	_ =	sdelay $0x3  }
0xa9: {  	s30 =	smul.u32 $0x15400, s0  }
0xaa: {  	v17 =	vsub.s32 v17, v1  }
0xab: {  	s29 =	sor.u32 $0x280, s23;
	s22 =	sshrl.u32 s30, $0x2;
	v17 =	vmin.u32 v17, $0x1388  }
0xac: {  	s0 =	sadd.s32 $0x3, s0;
	p1 =	sgt.u32 s26, $0x7A;
	s31 =	sadd.s32 $0x460, s22;
	[tilespmem:s23+$0x400] =	vst v17  }
0xad: {  	[tilespmem:s31], [sflag:s0] =	stream.indirect.gather [hbm4b:s5+s21], $0x110, s29, s21, $0xb8;
	[tilespmem:$0x1FAF0] =	vst v63  }
0xae: {  	s0 =	smul.u32 @!p1 $0x50, s26  }
0xaf: {  	s3 =	smul.u32 @!p1 $0x500, s28  }
0xb0: {  	s0 =	sadd.s32 @!p1 s0, s12  }
0xb1: {  	s3 =	sshrl.u32 @!p1 s3, $0x2;
	s0 =	sshrl.u32 @!p1 s0, $0x1  }
0xb2: {  	s22 =	sadd.s32 @!p1 $0x1, s28;
	s29 =	simm.s32 @!p1 $0x0;
	s0 =	sadd.s32 @!p1 s1, s0  }
0xb3: {  	[tilespmem:s3], [sflag:s22] =	stream.linear.gather @!p1 [hbm4b:s0+s29], $0x140, $0x38;
	[tilespmem:$0x1FAF0] =	vst v63  }
.LBB2_6:
0xb4: {  	s0 =	simm.s32 $0x1  }
0xb5: {  	s0 =	simm.s32 @!p0 $0x0  }
0xb6: {  	s22 =	sadd.s32 $0x3, s28;
	s0 =	smul.u32 $0x15400, s0  }
0xb7: {  	_ =	swait.ge [sflag:s22], $0x5500  }
0xb8: {  	[sflag:s22] =	ssyncset.done $0x0;
	s0 =	sshrl.u32 s0, $0x2  }
0xb9: {  	[sflag:s22] =	ssyncadd.s32 $0xFFFFAB00;
	s3 =	sadd.s32 $0x4E0, s0  }
0xba: {  	v17 =	vld [tilespmem:s3+$0xFFFFFFF0]  }
0xbb: {  	v25 =	vld [tilespmem:s3+$0xFFFFFF80]  }
0xbc: {  	v21 =	vld [tilespmem:s3+$0x50]  }
0xbd: {  	v32 =	vld [tilespmem:s3+$0x70]  }
0xbe: {  	s23 =	simm.s32 $0x0;
	v28 =	vld [tilespmem:s3+$0x80]  }
0xbf: {  	v19 =	vmov s23;
	v23 =	vld [tilespmem:s3+$0x30]  }
0xc0: {  	s22 =	smul.u32 $0x140, s28;
	v22 =	vld [tilespmem:s3+$0x0]  }
0xc1: {  	v18 =	vld [tilespmem:s3+$0x20]  }
0xc2: {  	s30 =	sshrl.u32 s22, $0x2;
	v20 =	vld [tilespmem:s3+$0x10]  }
0xc3: {  	s0 =	sadd.s32 $0x320, s30;
	v30 =	vld [tilespmem:s3+$0xFFFFFFA0]  }
0xc4: {  	v19 =	vld.idx.msk [tilespmem:v19+s0+$0x0], $0xffff  }
0xc5: {  	v24 =	vld [tilespmem:s3+$0xFFFFFFD0]  }
0xc6: {  	v29 =	vld [tilespmem:s3+$0xFFFFFF90]  }
0xc7: {  	s23 =	smul.u32 $0x15400, s28;
	v26 =	vld [tilespmem:s3+$0xFFFFFFB0]  }
0xc8: {  	v27 =	vld [tilespmem:s3+$0x40]  }
0xc9: {  	s26 =	sadd.s32 $0x1, s26;
	s22 =	sshrl.u32 s23, $0x2;
	v33 =	vmul.f32 v25, v19;
	v25 =	vld [tilespmem:s3+$0xFFFFFFC0];
	v31 =	vmul.f32 v28, v19  }
0xca: {  	s31 =	sadd.s32 $0x460, s22;
	s22 =	simm.s32 $0x1;
	s29 =	smov.u32 s3;
	v30 =	vmul.f32 v30, v19;
	v28 =	vld [tilespmem:s3+$0xFFFFFFE0];
	v32 =	vmul.f32 v32, v19  }
.LBB2_7:
0xcb: {  	p1 =	sne.s32 s22, $0x4F  }
0xcc: {  	[tilespmem:s3+$0xFFFFFF80] =	vst v33;
	v29 =	vmul.f32 v29, v19;
	v21 =	vmul.f32 v21, v19;
	s29 =	sadd.s32 $0x110, s29;
	s23 =	smov.u32 s22;
	s22 =	sadd.s32 $0x1, s22  }
0xcd: {  	v23 =	vmul.f32 v23, v19;
	v26 =	vmul.f32 v26, v19;
	v33 =	vld [tilespmem:s3+$0x60];
	[tilespmem:s3+$0x80] =	vst v31  }
0xce: {  	v22 =	vmul.f32 v22, v19;
	v27 =	vmul.f32 v27, v19;
	[tilespmem:s3+$0x70] =	vst v32  }
0xcf: {  	v24 =	vmul.f32 v24, v19;
	v25 =	vmul.f32 v25, v19;
	[tilespmem:s3+$0x50] =	vst v21  }
0xd0: {  	v17 =	vmul.f32 v17, v19;
	[tilespmem:s3+$0xFFFFFFA0] =	vst v30;
	v28 =	vmul.f32 v28, v19  }
0xd1: {  	v20 =	vmul.f32 v20, v19;
	v18 =	vmul.f32 v18, v19;
	[tilespmem:s3+$0x30] =	vst v23  }
0xd2: {  	[tilespmem:s3+$0xFFFFFFF0] =	vst v17;
	v19 =	vmul.f32 v33, v19  }
0xd3: {  	[tilespmem:s3+$0x0] =	vst v22  }
0xd4: {  	v17 =	vld [tilespmem:s29+$0xFFFFFFF0];
	[tilespmem:s3+$0x60] =	vst v19  }
0xd5: {  	v30 =	vld [tilespmem:s29+$0xFFFFFF80];
	[tilespmem:s3+$0xFFFFFF90] =	vst v29  }
0xd6: {  	v21 =	vld [tilespmem:s29+$0x50];
	[tilespmem:s3+$0xFFFFFFD0] =	vst v24  }
0xd7: {  	v32 =	vld [tilespmem:s29+$0x70];
	[tilespmem:s3+$0x40] =	vst v27  }
0xd8: {  	v19 =	vmov s23;
	v31 =	vld [tilespmem:s29+$0x80];
	[tilespmem:s3+$0xFFFFFFE0] =	vst v28  }
0xd9: {  	v23 =	vld [tilespmem:s29+$0x30];
	[tilespmem:s3+$0xFFFFFFB0] =	vst v26  }
0xda: {  	v22 =	vld [tilespmem:s29+$0x0];
	[tilespmem:s3+$0x20] =	vst v18  }
0xdb: {  	v18 =	vld [tilespmem:s29+$0x20];
	[tilespmem:s3+$0x10] =	vst v20  }
0xdc: {  	v20 =	vld [tilespmem:s29+$0x10];
	[tilespmem:s3+$0xFFFFFFC0] =	vst v25;
	s3 =	smov.u32 s29  }
0xdd: {  	v19 =	vld.idx.msk [tilespmem:v19+s0+$0x0], $0xffff  }
0xde: {  	v28 =	vld [tilespmem:s29+$0xFFFFFFA0]  }
0xdf: {  	v24 =	vld [tilespmem:s29+$0xFFFFFFD0]  }
.Ltmp2:
0xe0: {  	v29 =	vld [tilespmem:s29+$0xFFFFFF90];
	(pc) =	sbr.rel @p1 .LBB2_7-.Ltmp2, $4  }
0xe1: {  	v26 =	vld [tilespmem:s29+$0xFFFFFFB0]  }
0xe2: {  	v27 =	vld [tilespmem:s29+$0x40]  }
0xe3: {  	v33 =	vmul.f32 v30, v19;
	v31 =	vmul.f32 v31, v19;
	v25 =	vld [tilespmem:s29+$0xFFFFFFC0]  }
0xe4: {  	v32 =	vmul.f32 v32, v19;
	v30 =	vmul.f32 v28, v19;
	v28 =	vld [tilespmem:s29+$0xFFFFFFE0]  }
0xe5: {  	[tilespmem:s3+$0xFFFFFF80] =	vst v33  }
0xe6: {  	[tilespmem:s3+$0x80] =	vst v31  }
0xe7: {  	v21 =	vmul.f32 v21, v19;
	[tilespmem:s3+$0x70] =	vst v32  }
0xe8: {  	v58 =	vld [tilespmem:s3+$0x60];
	v23 =	vmul.f32 v23, v19;
	[tilespmem:s3+$0xFFFFFFA0] =	vst v30  }
0xe9: {  	v17 =	vmul.f32 v17, v19;
	[tilespmem:s3+$0x50] =	vst v21  }
0xea: {  	v59 =	vmul.f32 v22, v19;
	[tilespmem:s3+$0x30] =	vst v23  }
0xeb: {  	v60 =	vmul.f32 v29, v19;
	[tilespmem:s3+$0xFFFFFFF0] =	vst v17  }
0xec: {  	v61 =	vmul.f32 v24, v19;
	[tilespmem:s3+$0x0] =	vst v59  }
0xed: {  	[tilespmem:s3+$0xFFFFFF90] =	vst v60;
	v17 =	vmul.f32 v58, v19  }
0xee: {  	v63 =	vmul.f32 v26, v19;
	[tilespmem:s3+$0xFFFFFFD0] =	vst v61  }
0xef: {  	[tilespmem:s3+$0x60] =	vst v17;
	v17 =	vmul.f32 v27, v19  }
0xf0: {  	[tilespmem:s3+$0xFFFFFFB0] =	vst v63;
	v62 =	vmul.f32 v28, v19  }
0xf1: {  	p1 =	sne.s32 s26, $0x7D;
	[tilespmem:s3+$0x40] =	vst v17;
	v17 =	vmul.f32 v18, v19  }
.Ltmp3:
0xf2: {  	[tilespmem:s3+$0xFFFFFFE0] =	vst v62;
	v18 =	vmul.f32 v20, v19;
	(pc) =	sbr.rel @p1 .LBB2_4-.Ltmp3, $4  }
0xf3: {  	v19 =	vmul.f32 v25, v19;
	[tilespmem:s3+$0x20] =	vst v17  }
0xf4: {  	[tilespmem:s3+$0x10] =	vst v18  }
0xf5: {  	s0 =	sadd.s32 $0x3C0, s30;
	s30 =	sadd.s32 $0x5, s28;
	p0 =	por !p0, !p0;
	[tilespmem:s3+$0xFFFFFFC0] =	vst v19  }
0xf6: {  	[spmem:s2] =	stream.indirect.scatter.add.f32 [tilespmem:s31], [sflag:s30], $0x110, s0, s21, $0xb8;
	[tilespmem:$0x1FAF0] =	vst v63  }
0xf7: {  	_ =	swait.ge [sflag:s24], $0x5500  }
0xf8: {  	[sflag:s24] =	ssyncset.done $0x0  }
0xf9: {  	[sflag:s24] =	ssyncadd.s32 $0xFFFFAB00  }
0xfa: {  	_ =	swait.ge [sflag:s25], $0x5500  }
0xfb: {  	s0 =	stileid.u32;
	[sflag:s25] =	ssyncset.done $0x0  }
0xfc: {  	s0 =	sshll.u32 s0, $0x6;
	[sflag:s25] =	ssyncadd.s32 $0xFFFFAB00  }
0xfd: {  	s3 =	sshrl.u32 s6, $0x3;
	s0 =	sor.u32 $0x1C07, s0;
	[bflag:$0x0] =	sbarrier.arrive $0xFFFF  }
0xfe: {  	[hbm:s13], [sflag:s0] =	dma.local [spmem:s3], $0xAA0  }
0xff: {  	_ =	swait.ge [sflag:s19], $0xAA0  }
0x100: {  	[sflag:s19] =	ssyncset.done $0x0  }
0x101: {  	s29 =	sshrl.u32 s7, $0x3;
	[sflag:s19] =	ssyncadd.s32 $0xFFFFF560  }
0x102: {  	[hbm:s14], [sflag:s0] =	dma.local [spmem:s29], $0xAA0  }
0x103: {  	_ =	swait.ge [sflag:s19], $0xAA0  }
0x104: {  	[sflag:s19] =	ssyncset.done $0x0  }
0x105: {  	s30 =	sshrl.u32 s8, $0x3;
	[sflag:s19] =	ssyncadd.s32 $0xFFFFF560  }
0x106: {  	[hbm:s15], [sflag:s0] =	dma.local [spmem:s30], $0xAA0  }
0x107: {  	s4 =	sadd.s32 $0x1, s4;
	_ =	swait.ge [sflag:s19], $0xAA0  }
0x108: {  	p0 =	sne.s32 s4, s17;
	[sflag:s19] =	ssyncset.done $0x0  }
.Ltmp4:
0x109: {  	s31 =	sshrl.u32 s9, $0x3;
	[sflag:s19] =	ssyncadd.s32 $0xFFFFF560;
	(pc) =	sbr.rel @p0 .LBB2_1-.Ltmp4, $4  }
0x10a: {  	[hbm:s16], [sflag:s0] =	dma.local [spmem:s31], $0x9B2  }
0x10b: {  	_ =	swait.ge [sflag:s19], $0x9B2  }
0x10c: {  	[sflag:s19] =	ssyncset.done $0x0  }
0x10d: {  	[sflag:s19] =	ssyncadd.s32 $0xFFFFF64E  }
0x10e: {  	_ =	sfence.sel $0x180000  }
0x10f: {  	[bflag:$0x0] =	sbarrier.arrive $0xFFFF  }
0x110: {  	_ =	strace $0x9000004A  }
0x111: {  	s0 =	stileid.u32;
	[bflag:$0x2] =	sbarrier.arrive $0xFFFF  }
0x112: {  	p0 =	sne.s32 s0, $0x0;
	s0 =	rddreg [dreg:$0x3]  }
0x113: {  	s0 =	sadd.s32 @!p0 $0x100000, s0  }
0x114: {  	[sflag:s0] =	ssyncadd.tile.s32 @!p0 $0x1;
	_ =	shalt  }
.Lfunc_end2:
_tile_overlayer_lowered:
.L_overlay_start_2:
0x115: {  	(tag) =	ssettag $0x2  }
0x116: {  	s0 =	rddreg [dreg:$0x0];
	s2 =	stileid.u32  }
0x117: {  	s1 =	rddreg [dreg:$0x1];
	p0 =	sne.s32 s2, $0x0  }
0x118: {  	s3 =	rddreg [dreg:$0x2];
	[bflag:$0x3] =	sbarrier.arrive $0xFFFF;
	s2 =	simm.s32 @!p0 $0x1C07  }
0x119: {  	[timem:s3], [sflag:s2] =	dma.local @!p0 [hbm:s0], s1  }
0x11a: {  	s0 =	simm.s32 @!p0 $0x7  }
0x11b: {  	_ =	swait.ge @!p0 [sflag:s0], s1  }
0x11c: {  	s1 =	ssub.s32 @!p0 $0x0, s1;
	[sflag:s0] =	ssyncset.done @!p0 $0x0  }
0x11d: {  	[sflag:s0] =	ssyncadd.s32 @!p0 s1  }
0x11e: {  	[bflag:$0x3] =	sbarrier.arrive $0xFFFF  }
0x11f: {  	_ =	shalt  }

</sc_bundles>
